<compile_context>
chip_gen: v7x
topology: tpu7x:2x2x1
jax: 0.10.2.dev20260603
libtpu: 0.0.44.dev20260713+nightly
codegen_flags: <defaults>
</compile_context>

<pallas_src>
import jax
import jax.numpy as jnp
from jax import lax
from jax.experimental import pallas as pl
from jax.experimental.pallas import tpu as pltpu
from jax.experimental.pallas import tpu_sc as plsc

_N = 10000
_E = 320000
_D = 128
_L = 16
_NS = 16
_NB = _E // 128
_NBW = _NB // _NS + (1 if _NB % _NS else 0)


def _prep_body(h_ref, w_ref, ij_ref, b_ref, t_ref, sib_ref, enum_ref, pi_ref):
    w2 = w_ref[...].reshape(2, _D)
    dn = (((1,), (1,)), ((), ()))
    d = lax.dot_general(h_ref[...], w2, dn,
                        preferred_element_type=jnp.float32,
                        precision=jax.lax.Precision.HIGHEST)
    t_ref[...] = jnp.transpose(d)[1, :]
    ii = ij_ref[0]
    jj = ij_ref[1]
    di = lax.dot_general(h_ref[pl.ds(ii, 1), :], w2, dn,
                         preferred_element_type=jnp.float32,
                         precision=jax.lax.Precision.HIGHEST)
    dj = lax.dot_general(h_ref[pl.ds(jj, 1), :], w2, dn,
                         preferred_element_type=jnp.float32,
                         precision=jax.lax.Precision.HIGHEST)
    sib = di[:, 0] + b_ref[0]
    x0 = sib + dj[:, 1]
    enum = jnp.where(x0 >= 0, x0, 0.2 * x0)
    sib_ref[...] = jnp.broadcast_to(sib, (_L,))
    enum_ref[...] = jnp.broadcast_to(enum, (_L,))
    pi_ref[...] = jnp.full((_L,), ii, jnp.int32)


def _edge_scan_body(t_hbm, g_hbm, pi_hbm, sib_hbm, enum_hbm, out_hbm,
                    t_v, g_v, pi_v, sib_v, enum_v, stage_v, parts_sh, parts_v):
    s = lax.axis_index("s")
    b0 = (_NB * s) // _NS
    b1 = (_NB * (s + 1)) // _NS
    pltpu.sync_copy(pi_hbm, pi_v)
    pltpu.sync_copy(sib_hbm, sib_v)
    pltpu.sync_copy(enum_hbm, enum_v)
    pltpu.sync_copy(t_hbm, t_v)
    pltpu.sync_copy(g_hbm.at[pl.ds(b0, _NBW)], g_v)
    pi = pi_v[...]
    sib = sib_v[...]

    def body(q, accs):
        out = []
        for m in range(8):
            src = g_v[q, 0, pl.ds(m * _L, _L)]
            dst = g_v[q, 1, pl.ds(m * _L, _L)]
            tv = plsc.load_gather(t_v, [dst])
            x = sib + tv
            lr = jnp.maximum(x, 0.2 * x)
            out.append(accs[m] + jnp.where(src == pi, lr, 0.0))
        return tuple(out)

    z16 = jnp.zeros((_L,), jnp.float32)
    accs = lax.fori_loop(0, b1 - b0, body, (z16,) * 8)
    acc = ((accs[0] + accs[1]) + (accs[2] + accs[3])) + \
          ((accs[4] + accs[5]) + (accs[6] + accs[7]))
    stage_v[...] = acc
    pltpu.sync_copy(stage_v, parts_sh.at[s])
    plsc.subcore_barrier()

    @pl.when(s == 0)
    def _():
        pltpu.sync_copy(parts_sh, parts_v)
        tot16 = jnp.zeros((_L,), jnp.float32)
        for r in range(_NS):
            tot16 = tot16 + parts_v[r]
        total = jnp.sum(tot16)
        stage_v[...] = enum_v[...] / total
        pltpu.sync_copy(stage_v, out_hbm)


def kernel(g, h, i, j, W, b):
    ij = jnp.stack([jnp.asarray(i, jnp.int32), jnp.asarray(j, jnp.int32)])
    t, sib, enum, pi = pl.pallas_call(
        _prep_body,
        in_specs=[
            pl.BlockSpec(memory_space=pltpu.VMEM),
            pl.BlockSpec(memory_space=pltpu.VMEM),
            pl.BlockSpec(memory_space=pltpu.SMEM),
            pl.BlockSpec(memory_space=pltpu.SMEM),
        ],
        out_shape=[
            jax.ShapeDtypeStruct((_N,), jnp.float32),
            jax.ShapeDtypeStruct((_L,), jnp.float32),
            jax.ShapeDtypeStruct((_L,), jnp.float32),
            jax.ShapeDtypeStruct((_L,), jnp.int32),
        ],
    )(h, W, ij, b)
    mesh = plsc.VectorSubcoreMesh(core_axis_name="c", subcore_axis_name="s",
                                  num_cores=2, num_subcores=_NS)
    scan_call = pl.kernel(
        _edge_scan_body,
        out_type=jax.ShapeDtypeStruct((_L,), jnp.float32),
        mesh=mesh,
        compiler_params=pltpu.CompilerParams(
            needs_layout_passes=False, use_tc_tiling_on_sc=False),
        scratch_types=[
            pltpu.VMEM((_N,), jnp.float32),
            pltpu.VMEM((_NBW, 2, 128), jnp.int32),
            pltpu.VMEM((_L,), jnp.int32),
            pltpu.VMEM((_L,), jnp.float32),
            pltpu.VMEM((_L,), jnp.float32),
            pltpu.VMEM((_L,), jnp.float32),
            pltpu.VMEM_SHARED((_NS, _L), jnp.float32),
            pltpu.VMEM((_NS, _L), jnp.float32),
        ],
    )
    gview = g.reshape(_NB, 128, 2).transpose(0, 2, 1)
    scan = scan_call(t, gview, pi, sib, enum)
    return scan[0:1]

# --- scband reference (transcript-rebuilt; emitter-appended) ---
"""Pipeline reference for scband-gathead-35476429865591 (READ-ONLY COPY).

The authoritative reference and input builder live on the scoring server;
editing this copy changes nothing except your own understanding.
"""

import jax, jax.numpy as jnp
import numpy as np

N = 10000
E = 320000
D = 128


def leaky_relu(x):
    return jnp.where(x >= 0, x, 0.2 * x)


def setup_inputs(seed: int = 0) -> dict:
    key = jax.random.key(seed)
    k1, k2, k3 = jax.random.split(key, 3)
    h = jax.random.normal(k1, (N, D), dtype=jnp.float32)
    g = jax.random.randint(k2, (E, 2), 0, N, dtype=jnp.int32)
    # guarantee node i=0 has at least one out-edge so the neighbor sum is nonzero
    g = g.at[0].set(jnp.array([0, 1], dtype=jnp.int32))
    # nn.Linear(2*D, 1) parameters (Kaiming-uniform-like scale)
    bound = 1.0 / np.sqrt(2 * D)
    W = jax.random.uniform(k3, (1, 2 * D), dtype=jnp.float32, minval=-bound, maxval=bound)
    b = jnp.zeros((1,), dtype=jnp.float32)
    return {"g": g, "h": h, "i": 0, "j": 1, "W": W, "b": b}


def reference(g, h, i, j, W, b):
    # Split the Linear(2D -> 1) into left/right halves so that
    # attnn(cat(h[a], h[b])) == h[a] @ Wl.T + h[b] @ Wr.T + b (exact same math).
    Wl = W[:, :D]
    Wr = W[:, D:]
    # processnodes(i, j, h)
    e_ij = leaky_relu(h[i] @ Wl.T + h[j] @ Wr.T + b)  # shape [1]
    # sum over all edges (pair[0] == i) of processnodes(i, pair[1], h)
    src = g[:, 0]
    dst = g[:, 1]
    e_all = leaky_relu(h[src] @ Wl.T + h[dst] @ Wr.T + b)  # [E, 1]
    mask = (src == i)
    sumneighbors = jnp.sum(jnp.where(mask[:, None], e_all, 0.0), axis=0)  # [1]
    return e_ij / sumneighbors

if __name__ == "__main__":
    import jax
    _d = setup_inputs()
    print(jax.jit(kernel)(*tuple(_d.values())))

</pallas_src>

<mosaic_0001>
#map = affine_map<(d0, d1) -> (0)>
#map1 = affine_map<(d0, d1) -> (0, 0, 0)>
module attributes {stable_mosaic.version = 14 : i64} {
  func.func @_edge_scan_body(%arg0: i32, %arg1: i32, %arg2: memref<10000xf32, #tpu.memory_space<hbm>>, %arg3: memref<2500x2x128xi32, #tpu.memory_space<hbm>>, %arg4: memref<16xi32, #tpu.memory_space<hbm>>, %arg5: memref<16xf32, #tpu.memory_space<hbm>>, %arg6: memref<16xf32, #tpu.memory_space<hbm>>, %arg7: memref<16xf32, #tpu.memory_space<hbm>>, %arg8: memref<10000xf32, #tpu.memory_space<vmem>>, %arg9: memref<157x2x128xi32, #tpu.memory_space<vmem>>, %arg10: memref<16xi32, #tpu.memory_space<vmem>>, %arg11: memref<16xf32, #tpu.memory_space<vmem>>, %arg12: memref<16xf32, #tpu.memory_space<vmem>>, %arg13: memref<16xf32, #tpu.memory_space<vmem>>, %arg14: memref<16x16xf32, #tpu.memory_space<vmem_shared>>, %arg15: memref<16x16xf32, #tpu.memory_space<vmem>>) attributes {dimension_semantics = [#tpu.dimension_semantics<core_parallel>, #tpu.dimension_semantics<subcore_parallel>], iteration_bounds = array<i64: 2, 16>, scalar_prefetch = 0 : i64, scratch_operands = 8 : i64, tpu.core_type = #tpu.core_type<sc_vector_subcore>, window_params = [{transform_indices = #map}, {transform_indices = #map1}, {transform_indices = #map}, {transform_indices = #map}, {transform_indices = #map}, {transform_indices = #map}]} {
    %mul3A = arith.constant 2500 : i32
    %mul3A_0 = arith.muli %mul3A, %arg1 : i32
    %jit3A = arith.constant 16 : i32
    %div3A = arith.divsi %mul3A_0, %jit3A : i32
    %sign3A = arith.constant 0 : i32
    %sign3A_1 = arith.cmpi sgt, %mul3A_0, %sign3A : i32
    %sign3A_2 = arith.extui %sign3A_1 : i1 to i32
    %sign3A_3 = arith.constant 0 : i32
    %sign3A_4 = arith.cmpi slt, %mul3A_0, %sign3A_3 : i32
    %sign3A_5 = arith.extui %sign3A_4 : i1 to i32
    %sign3A_6 = arith.subi %sign3A_2, %sign3A_5 : i32
    %sign3A_7 = arith.constant 0 : i32
    %sign3A_8 = arith.cmpi sgt, %jit3A, %sign3A_7 : i32
    %sign3A_9 = arith.extui %sign3A_8 : i1 to i32
    %sign3A_10 = arith.constant 0 : i32
    %sign3A_11 = arith.cmpi slt, %jit3A, %sign3A_10 : i32
    %sign3A_12 = arith.extui %sign3A_11 : i1 to i32
    %sign3A_13 = arith.subi %sign3A_9, %sign3A_12 : i32
    %ne3A = arith.cmpi ne, %sign3A_6, %sign3A_13 : i32
    %rem3A = arith.remsi %mul3A_0, %jit3A : i32
    %ne3A_14 = arith.constant 0 : i32
    %ne3A_15 = arith.cmpi ne, %rem3A, %ne3A_14 : i32
    %and3A = arith.andi %ne3A, %ne3A_15 : i1
    %sub3A = arith.constant 1 : i32
    %sub3A_16 = arith.subi %div3A, %sub3A : i32
    %select_n3A = arith.select %and3A, %sub3A_16, %div3A : i32
    %add3A = arith.constant 1 : i32
    %add3A_17 = arith.addi %arg1, %add3A : i32
    %mul3A_18 = arith.constant 2500 : i32
    %mul3A_19 = arith.muli %mul3A_18, %add3A_17 : i32
    %jit3A_20 = arith.constant 16 : i32
    %div3A_21 = arith.divsi %mul3A_19, %jit3A_20 : i32
    %sign3A_22 = arith.constant 0 : i32
    %sign3A_23 = arith.cmpi sgt, %mul3A_19, %sign3A_22 : i32
    %sign3A_24 = arith.extui %sign3A_23 : i1 to i32
    %sign3A_25 = arith.constant 0 : i32
    %sign3A_26 = arith.cmpi slt, %mul3A_19, %sign3A_25 : i32
    %sign3A_27 = arith.extui %sign3A_26 : i1 to i32
    %sign3A_28 = arith.subi %sign3A_24, %sign3A_27 : i32
    %sign3A_29 = arith.constant 0 : i32
    %sign3A_30 = arith.cmpi sgt, %jit3A_20, %sign3A_29 : i32
    %sign3A_31 = arith.extui %sign3A_30 : i1 to i32
    %sign3A_32 = arith.constant 0 : i32
    %sign3A_33 = arith.cmpi slt, %jit3A_20, %sign3A_32 : i32
    %sign3A_34 = arith.extui %sign3A_33 : i1 to i32
    %sign3A_35 = arith.subi %sign3A_31, %sign3A_34 : i32
    %ne3A_36 = arith.cmpi ne, %sign3A_28, %sign3A_35 : i32
    %rem3A_37 = arith.remsi %mul3A_19, %jit3A_20 : i32
    %ne3A_38 = arith.constant 0 : i32
    %ne3A_39 = arith.cmpi ne, %rem3A_37, %ne3A_38 : i32
    %and3A_40 = arith.andi %ne3A_36, %ne3A_39 : i1
    %sub3A_41 = arith.constant 1 : i32
    %sub3A_42 = arith.subi %div3A_21, %sub3A_41 : i32
    %select_n3A_43 = arith.select %and3A_40, %sub3A_42, %div3A_21 : i32
    "tpu.region"() ({
      %run_scoped3A = tpu.sem_alloc : memref<!tpu.dma_semaphore, #tpu.memory_space<semaphore_mem>>
      tpu.enqueue_dma source(%arg4 : memref<16xi32, #tpu.memory_space<hbm>>) target(%arg10 : memref<16xi32, #tpu.memory_space<vmem>>) target_semaphore(%run_scoped3A : memref<!tpu.dma_semaphore, #tpu.memory_space<semaphore_mem>>)
      tpu.wait_dma2 semaphore(%run_scoped3A : memref<!tpu.dma_semaphore, #tpu.memory_space<semaphore_mem>>) src(%arg4 : memref<16xi32, #tpu.memory_space<hbm>>) dst(%arg10 : memref<16xi32, #tpu.memory_space<vmem>>)
      tpu.yield
    }) : () -> ()
    "tpu.region"() ({
      %run_scoped3A = tpu.sem_alloc : memref<!tpu.dma_semaphore, #tpu.memory_space<semaphore_mem>>
      tpu.enqueue_dma source(%arg5 : memref<16xf32, #tpu.memory_space<hbm>>) target(%arg11 : memref<16xf32, #tpu.memory_space<vmem>>) target_semaphore(%run_scoped3A : memref<!tpu.dma_semaphore, #tpu.memory_space<semaphore_mem>>)
      tpu.wait_dma2 semaphore(%run_scoped3A : memref<!tpu.dma_semaphore, #tpu.memory_space<semaphore_mem>>) src(%arg5 : memref<16xf32, #tpu.memory_space<hbm>>) dst(%arg11 : memref<16xf32, #tpu.memory_space<vmem>>)
      tpu.yield
    }) : () -> ()
    "tpu.region"() ({
      %run_scoped3A = tpu.sem_alloc : memref<!tpu.dma_semaphore, #tpu.memory_space<semaphore_mem>>
      tpu.enqueue_dma source(%arg6 : memref<16xf32, #tpu.memory_space<hbm>>) target(%arg12 : memref<16xf32, #tpu.memory_space<vmem>>) target_semaphore(%run_scoped3A : memref<!tpu.dma_semaphore, #tpu.memory_space<semaphore_mem>>)
      tpu.wait_dma2 semaphore(%run_scoped3A : memref<!tpu.dma_semaphore, #tpu.memory_space<semaphore_mem>>) src(%arg6 : memref<16xf32, #tpu.memory_space<hbm>>) dst(%arg12 : memref<16xf32, #tpu.memory_space<vmem>>)
      tpu.yield
    }) : () -> ()
    "tpu.region"() ({
      %run_scoped3A = tpu.sem_alloc : memref<!tpu.dma_semaphore, #tpu.memory_space<semaphore_mem>>
      tpu.enqueue_dma source(%arg2 : memref<10000xf32, #tpu.memory_space<hbm>>) target(%arg8 : memref<10000xf32, #tpu.memory_space<vmem>>) target_semaphore(%run_scoped3A : memref<!tpu.dma_semaphore, #tpu.memory_space<semaphore_mem>>)
      tpu.wait_dma2 semaphore(%run_scoped3A : memref<!tpu.dma_semaphore, #tpu.memory_space<semaphore_mem>>) src(%arg2 : memref<10000xf32, #tpu.memory_space<hbm>>) dst(%arg8 : memref<10000xf32, #tpu.memory_space<vmem>>)
      tpu.yield
    }) : () -> ()
    "tpu.region"() ({
      %run_scoped3A = tpu.sem_alloc : memref<!tpu.dma_semaphore, #tpu.memory_space<semaphore_mem>>
      %dma_start3A = arith.constant 0 : i32
      %dma_start3A_69 = arith.constant 0 : i32
      %dma_start3A_70 = tpu.memref_slice %arg3[%select_n3A, %dma_start3A, %dma_start3A_69] : memref<2500x2x128xi32, #tpu.memory_space<hbm>> -> memref<157x2x128xi32, #tpu.memory_space<hbm>>
      %dma_start3A_71 = arith.constant 0 : i32
      %dma_start3A_72 = arith.constant 0 : i32
      %dma_start3A_73 = tpu.memref_slice %arg3[%select_n3A, %dma_start3A_71, %dma_start3A_72] : memref<2500x2x128xi32, #tpu.memory_space<hbm>> -> memref<157x2x128xi32, #tpu.memory_space<hbm>>
      tpu.enqueue_dma source(%dma_start3A_73 : memref<157x2x128xi32, #tpu.memory_space<hbm>>) target(%arg9 : memref<157x2x128xi32, #tpu.memory_space<vmem>>) target_semaphore(%run_scoped3A : memref<!tpu.dma_semaphore, #tpu.memory_space<semaphore_mem>>)
      %dma_wait3A = arith.constant 0 : i32
      %dma_wait3A_74 = arith.constant 0 : i32
      %dma_wait3A_75 = tpu.memref_slice %arg3[%select_n3A, %dma_wait3A, %dma_wait3A_74] : memref<2500x2x128xi32, #tpu.memory_space<hbm>> -> memref<157x2x128xi32, #tpu.memory_space<hbm>>
      %dma_wait3A_76 = arith.constant 0 : i32
      %dma_wait3A_77 = arith.constant 0 : i32
      %dma_wait3A_78 = tpu.memref_slice %arg3[%select_n3A, %dma_wait3A_76, %dma_wait3A_77] : memref<2500x2x128xi32, #tpu.memory_space<hbm>> -> memref<157x2x128xi32, #tpu.memory_space<hbm>>
      tpu.wait_dma2 semaphore(%run_scoped3A : memref<!tpu.dma_semaphore, #tpu.memory_space<semaphore_mem>>) src(%dma_wait3A_78 : memref<157x2x128xi32, #tpu.memory_space<hbm>>) dst(%arg9 : memref<157x2x128xi32, #tpu.memory_space<vmem>>)
      tpu.yield
    }) : () -> ()
    %get3A = arith.constant 0 : index
    %get3A_44 = tpu.vector_load %arg10[%get3A] {strides = array<i32>} : memref<16xi32, #tpu.memory_space<vmem>>, vector<16xi32>,
    %get3A_45 = arith.constant 0 : index
    %get3A_46 = tpu.vector_load %arg11[%get3A_45] {strides = array<i32>} : memref<16xf32, #tpu.memory_space<vmem>>, vector<16xf32>,
    %broadcast_in_dim3A = arith.constant 0.000000e+00 : f32
    %broadcast_in_dim3A_47 = vector.broadcast %broadcast_in_dim3A : f32 to vector<16xf32>
    %sub3A_48 = arith.subi %select_n3A_43, %select_n3A : i32
    %while3A = arith.constant 0 : i32
    %while3A_49 = arith.subi %sub3A_48, %while3A : i32
    %while3A_50 = arith.addi %while3A, %while3A_49 : i32
    %while3A_51 = arith.constant 1 : i32
    %while3A_52 = arith.divsi %while3A_49, %while3A_51 : i32
    %while3A_53 = arith.muli %while3A_52, %while3A_51 : i32
    %while3A_54 = arith.addi %while3A, %while3A_53 : i32
    %while3A_55 = arith.constant 1 : i32
    %while3A_56:8 = scf.for %while3A_69 = %while3A to %while3A_54 step %while3A_55 iter_args(%while3A_70 = %broadcast_in_dim3A_47, %while3A_71 = %broadcast_in_dim3A_47, %while3A_72 = %broadcast_in_dim3A_47, %while3A_73 = %broadcast_in_dim3A_47, %while3A_74 = %broadcast_in_dim3A_47, %while3A_75 = %broadcast_in_dim3A_47, %while3A_76 = %broadcast_in_dim3A_47, %while3A_77 = %broadcast_in_dim3A_47) -> (vector<16xf32>, vector<16xf32>, vector<16xf32>, vector<16xf32>, vector<16xf32>, vector<16xf32>, vector<16xf32>, vector<16xf32>)  : i32 {
      %get3A_78 = arith.constant 0 : i32
      %get3A_79 = arith.index_cast %while3A_69 : i32 to index
      %get3A_80 = arith.index_cast %get3A_78 : i32 to index
      %get3A_81 = arith.constant 0 : index
      %get3A_82 = tpu.vector_load %arg9[%get3A_79, %get3A_80, %get3A_81] {strides = array<i32>} : memref<157x2x128xi32, #tpu.memory_space<vmem>>, vector<16xi32>,
      %get3A_83 = arith.constant 1 : i32
      %get3A_84 = arith.index_cast %while3A_69 : i32 to index
      %get3A_85 = arith.index_cast %get3A_83 : i32 to index
      %get3A_86 = arith.constant 0 : index
      %get3A_87 = tpu.vector_load %arg9[%get3A_84, %get3A_85, %get3A_86] {strides = array<i32>} : memref<157x2x128xi32, #tpu.memory_space<vmem>>, vector<16xi32>,
      %gather3A = tpu.vector_load_idx %arg8[%get3A_87] : memref<10000xf32, #tpu.memory_space<vmem>>[vector<16xi32>], vector<16xf32>,
      %add3A_88 = arith.addf %get3A_46, %gather3A : vector<16xf32>
      %mul3A_89 = arith.constant 2.000000e-01 : f32
      %mul3A_90 = vector.broadcast %mul3A_89 : f32 to vector<16xf32>
      %mul3A_91 = arith.mulf %mul3A_90, %add3A_88 : vector<16xf32>
      %max3A = arith.maximumf %add3A_88, %mul3A_91 : vector<16xf32>
      %eq3A_92 = arith.cmpi eq, %get3A_82, %get3A_44 : vector<16xi32>
      %jit3A_93 = arith.constant 0.000000e+00 : f32
      %broadcast_in_dim3A_94 = vector.broadcast %jit3A_93 : f32 to vector<16xf32>
      %select_n3A_95 = arith.select %eq3A_92, %max3A, %broadcast_in_dim3A_94 : vector<16xi1>, vector<16xf32>
      %add3A_96 = arith.addf %while3A_70, %select_n3A_95 : vector<16xf32>
      %get3A_97 = arith.constant 0 : i32
      %get3A_98 = arith.index_cast %while3A_69 : i32 to index
      %get3A_99 = arith.index_cast %get3A_97 : i32 to index
      %get3A_100 = arith.constant 16 : index
      %get3A_101 = tpu.vector_load %arg9[%get3A_98, %get3A_99, %get3A_100] {strides = array<i32>} : memref<157x2x128xi32, #tpu.memory_space<vmem>>, vector<16xi32>,
      %get3A_102 = arith.constant 1 : i32
      %get3A_103 = arith.index_cast %while3A_69 : i32 to index
      %get3A_104 = arith.index_cast %get3A_102 : i32 to index
      %get3A_105 = arith.constant 16 : index
      %get3A_106 = tpu.vector_load %arg9[%get3A_103, %get3A_104, %get3A_105] {strides = array<i32>} : memref<157x2x128xi32, #tpu.memory_space<vmem>>, vector<16xi32>,
      %gather3A_107 = tpu.vector_load_idx %arg8[%get3A_106] : memref<10000xf32, #tpu.memory_space<vmem>>[vector<16xi32>], vector<16xf32>,
      %add3A_108 = arith.addf %get3A_46, %gather3A_107 : vector<16xf32>
      %mul3A_109 = arith.constant 2.000000e-01 : f32
      %mul3A_110 = vector.broadcast %mul3A_109 : f32 to vector<16xf32>
      %mul3A_111 = arith.mulf %mul3A_110, %add3A_108 : vector<16xf32>
      %max3A_112 = arith.maximumf %add3A_108, %mul3A_111 : vector<16xf32>
      %eq3A_113 = arith.cmpi eq, %get3A_101, %get3A_44 : vector<16xi32>
      %jit3A_114 = arith.constant 0.000000e+00 : f32
      %broadcast_in_dim3A_115 = vector.broadcast %jit3A_114 : f32 to vector<16xf32>
      %select_n3A_116 = arith.select %eq3A_113, %max3A_112, %broadcast_in_dim3A_115 : vector<16xi1>, vector<16xf32>
      %add3A_117 = arith.addf %while3A_71, %select_n3A_116 : vector<16xf32>
      %get3A_118 = arith.constant 0 : i32
      %get3A_119 = arith.index_cast %while3A_69 : i32 to index
      %get3A_120 = arith.index_cast %get3A_118 : i32 to index
      %get3A_121 = arith.constant 32 : index
      %get3A_122 = tpu.vector_load %arg9[%get3A_119, %get3A_120, %get3A_121] {strides = array<i32>} : memref<157x2x128xi32, #tpu.memory_space<vmem>>, vector<16xi32>,
      %get3A_123 = arith.constant 1 : i32
      %get3A_124 = arith.index_cast %while3A_69 : i32 to index
      %get3A_125 = arith.index_cast %get3A_123 : i32 to index
      %get3A_126 = arith.constant 32 : index
      %get3A_127 = tpu.vector_load %arg9[%get3A_124, %get3A_125, %get3A_126] {strides = array<i32>} : memref<157x2x128xi32, #tpu.memory_space<vmem>>, vector<16xi32>,
      %gather3A_128 = tpu.vector_load_idx %arg8[%get3A_127] : memref<10000xf32, #tpu.memory_space<vmem>>[vector<16xi32>], vector<16xf32>,
      %add3A_129 = arith.addf %get3A_46, %gather3A_128 : vector<16xf32>
      %mul3A_130 = arith.constant 2.000000e-01 : f32
      %mul3A_131 = vector.broadcast %mul3A_130 : f32 to vector<16xf32>
      %mul3A_132 = arith.mulf %mul3A_131, %add3A_129 : vector<16xf32>
      %max3A_133 = arith.maximumf %add3A_129, %mul3A_132 : vector<16xf32>
      %eq3A_134 = arith.cmpi eq, %get3A_122, %get3A_44 : vector<16xi32>
      %jit3A_135 = arith.constant 0.000000e+00 : f32
      %broadcast_in_dim3A_136 = vector.broadcast %jit3A_135 : f32 to vector<16xf32>
      %select_n3A_137 = arith.select %eq3A_134, %max3A_133, %broadcast_in_dim3A_136 : vector<16xi1>, vector<16xf32>
      %add3A_138 = arith.addf %while3A_72, %select_n3A_137 : vector<16xf32>
      %get3A_139 = arith.constant 0 : i32
      %get3A_140 = arith.index_cast %while3A_69 : i32 to index
      %get3A_141 = arith.index_cast %get3A_139 : i32 to index
      %get3A_142 = arith.constant 48 : index
      %get3A_143 = tpu.vector_load %arg9[%get3A_140, %get3A_141, %get3A_142] {strides = array<i32>} : memref<157x2x128xi32, #tpu.memory_space<vmem>>, vector<16xi32>,
      %get3A_144 = arith.constant 1 : i32
      %get3A_145 = arith.index_cast %while3A_69 : i32 to index
      %get3A_146 = arith.index_cast %get3A_144 : i32 to index
      %get3A_147 = arith.constant 48 : index
      %get3A_148 = tpu.vector_load %arg9[%get3A_145, %get3A_146, %get3A_147] {strides = array<i32>} : memref<157x2x128xi32, #tpu.memory_space<vmem>>, vector<16xi32>,
      %gather3A_149 = tpu.vector_load_idx %arg8[%get3A_148] : memref<10000xf32, #tpu.memory_space<vmem>>[vector<16xi32>], vector<16xf32>,
      %add3A_150 = arith.addf %get3A_46, %gather3A_149 : vector<16xf32>
      %mul3A_151 = arith.constant 2.000000e-01 : f32
      %mul3A_152 = vector.broadcast %mul3A_151 : f32 to vector<16xf32>
      %mul3A_153 = arith.mulf %mul3A_152, %add3A_150 : vector<16xf32>
      %max3A_154 = arith.maximumf %add3A_150, %mul3A_153 : vector<16xf32>
      %eq3A_155 = arith.cmpi eq, %get3A_143, %get3A_44 : vector<16xi32>
      %jit3A_156 = arith.constant 0.000000e+00 : f32
      %broadcast_in_dim3A_157 = vector.broadcast %jit3A_156 : f32 to vector<16xf32>
      %select_n3A_158 = arith.select %eq3A_155, %max3A_154, %broadcast_in_dim3A_157 : vector<16xi1>, vector<16xf32>
      %add3A_159 = arith.addf %while3A_73, %select_n3A_158 : vector<16xf32>
      %get3A_160 = arith.constant 0 : i32
      %get3A_161 = arith.index_cast %while3A_69 : i32 to index
      %get3A_162 = arith.index_cast %get3A_160 : i32 to index
      %get3A_163 = arith.constant 64 : index
      %get3A_164 = tpu.vector_load %arg9[%get3A_161, %get3A_162, %get3A_163] {strides = array<i32>} : memref<157x2x128xi32, #tpu.memory_space<vmem>>, vector<16xi32>,
      %get3A_165 = arith.constant 1 : i32
      %get3A_166 = arith.index_cast %while3A_69 : i32 to index
      %get3A_167 = arith.index_cast %get3A_165 : i32 to index
      %get3A_168 = arith.constant 64 : index
      %get3A_169 = tpu.vector_load %arg9[%get3A_166, %get3A_167, %get3A_168] {strides = array<i32>} : memref<157x2x128xi32, #tpu.memory_space<vmem>>, vector<16xi32>,
      %gather3A_170 = tpu.vector_load_idx %arg8[%get3A_169] : memref<10000xf32, #tpu.memory_space<vmem>>[vector<16xi32>], vector<16xf32>,
      %add3A_171 = arith.addf %get3A_46, %gather3A_170 : vector<16xf32>
      %mul3A_172 = arith.constant 2.000000e-01 : f32
      %mul3A_173 = vector.broadcast %mul3A_172 : f32 to vector<16xf32>
      %mul3A_174 = arith.mulf %mul3A_173, %add3A_171 : vector<16xf32>
      %max3A_175 = arith.maximumf %add3A_171, %mul3A_174 : vector<16xf32>
      %eq3A_176 = arith.cmpi eq, %get3A_164, %get3A_44 : vector<16xi32>
      %jit3A_177 = arith.constant 0.000000e+00 : f32
      %broadcast_in_dim3A_178 = vector.broadcast %jit3A_177 : f32 to vector<16xf32>
      %select_n3A_179 = arith.select %eq3A_176, %max3A_175, %broadcast_in_dim3A_178 : vector<16xi1>, vector<16xf32>
      %add3A_180 = arith.addf %while3A_74, %select_n3A_179 : vector<16xf32>
      %get3A_181 = arith.constant 0 : i32
      %get3A_182 = arith.index_cast %while3A_69 : i32 to index
      %get3A_183 = arith.index_cast %get3A_181 : i32 to index
      %get3A_184 = arith.constant 80 : index
      %get3A_185 = tpu.vector_load %arg9[%get3A_182, %get3A_183, %get3A_184] {strides = array<i32>} : memref<157x2x128xi32, #tpu.memory_space<vmem>>, vector<16xi32>,
      %get3A_186 = arith.constant 1 : i32
      %get3A_187 = arith.index_cast %while3A_69 : i32 to index
      %get3A_188 = arith.index_cast %get3A_186 : i32 to index
      %get3A_189 = arith.constant 80 : index
      %get3A_190 = tpu.vector_load %arg9[%get3A_187, %get3A_188, %get3A_189] {strides = array<i32>} : memref<157x2x128xi32, #tpu.memory_space<vmem>>, vector<16xi32>,
      %gather3A_191 = tpu.vector_load_idx %arg8[%get3A_190] : memref<10000xf32, #tpu.memory_space<vmem>>[vector<16xi32>], vector<16xf32>,
      %add3A_192 = arith.addf %get3A_46, %gather3A_191 : vector<16xf32>
      %mul3A_193 = arith.constant 2.000000e-01 : f32
      %mul3A_194 = vector.broadcast %mul3A_193 : f32 to vector<16xf32>
      %mul3A_195 = arith.mulf %mul3A_194, %add3A_192 : vector<16xf32>
      %max3A_196 = arith.maximumf %add3A_192, %mul3A_195 : vector<16xf32>
      %eq3A_197 = arith.cmpi eq, %get3A_185, %get3A_44 : vector<16xi32>
      %jit3A_198 = arith.constant 0.000000e+00 : f32
      %broadcast_in_dim3A_199 = vector.broadcast %jit3A_198 : f32 to vector<16xf32>
      %select_n3A_200 = arith.select %eq3A_197, %max3A_196, %broadcast_in_dim3A_199 : vector<16xi1>, vector<16xf32>
      %add3A_201 = arith.addf %while3A_75, %select_n3A_200 : vector<16xf32>
      %get3A_202 = arith.constant 0 : i32
      %get3A_203 = arith.index_cast %while3A_69 : i32 to index
      %get3A_204 = arith.index_cast %get3A_202 : i32 to index
      %get3A_205 = arith.constant 96 : index
      %get3A_206 = tpu.vector_load %arg9[%get3A_203, %get3A_204, %get3A_205] {strides = array<i32>} : memref<157x2x128xi32, #tpu.memory_space<vmem>>, vector<16xi32>,
      %get3A_207 = arith.constant 1 : i32
      %get3A_208 = arith.index_cast %while3A_69 : i32 to index
      %get3A_209 = arith.index_cast %get3A_207 : i32 to index
      %get3A_210 = arith.constant 96 : index
      %get3A_211 = tpu.vector_load %arg9[%get3A_208, %get3A_209, %get3A_210] {strides = array<i32>} : memref<157x2x128xi32, #tpu.memory_space<vmem>>, vector<16xi32>,
      %gather3A_212 = tpu.vector_load_idx %arg8[%get3A_211] : memref<10000xf32, #tpu.memory_space<vmem>>[vector<16xi32>], vector<16xf32>,
      %add3A_213 = arith.addf %get3A_46, %gather3A_212 : vector<16xf32>
      %mul3A_214 = arith.constant 2.000000e-01 : f32
      %mul3A_215 = vector.broadcast %mul3A_214 : f32 to vector<16xf32>
      %mul3A_216 = arith.mulf %mul3A_215, %add3A_213 : vector<16xf32>
      %max3A_217 = arith.maximumf %add3A_213, %mul3A_216 : vector<16xf32>
      %eq3A_218 = arith.cmpi eq, %get3A_206, %get3A_44 : vector<16xi32>
      %jit3A_219 = arith.constant 0.000000e+00 : f32
      %broadcast_in_dim3A_220 = vector.broadcast %jit3A_219 : f32 to vector<16xf32>
      %select_n3A_221 = arith.select %eq3A_218, %max3A_217, %broadcast_in_dim3A_220 : vector<16xi1>, vector<16xf32>
      %add3A_222 = arith.addf %while3A_76, %select_n3A_221 : vector<16xf32>
      %get3A_223 = arith.constant 0 : i32
      %get3A_224 = arith.index_cast %while3A_69 : i32 to index
      %get3A_225 = arith.index_cast %get3A_223 : i32 to index
      %get3A_226 = arith.constant 112 : index
      %get3A_227 = tpu.vector_load %arg9[%get3A_224, %get3A_225, %get3A_226] {strides = array<i32>} : memref<157x2x128xi32, #tpu.memory_space<vmem>>, vector<16xi32>,
      %get3A_228 = arith.constant 1 : i32
      %get3A_229 = arith.index_cast %while3A_69 : i32 to index
      %get3A_230 = arith.index_cast %get3A_228 : i32 to index
      %get3A_231 = arith.constant 112 : index
      %get3A_232 = tpu.vector_load %arg9[%get3A_229, %get3A_230, %get3A_231] {strides = array<i32>} : memref<157x2x128xi32, #tpu.memory_space<vmem>>, vector<16xi32>,
      %gather3A_233 = tpu.vector_load_idx %arg8[%get3A_232] : memref<10000xf32, #tpu.memory_space<vmem>>[vector<16xi32>], vector<16xf32>,
      %add3A_234 = arith.addf %get3A_46, %gather3A_233 : vector<16xf32>
      %mul3A_235 = arith.constant 2.000000e-01 : f32
      %mul3A_236 = vector.broadcast %mul3A_235 : f32 to vector<16xf32>
      %mul3A_237 = arith.mulf %mul3A_236, %add3A_234 : vector<16xf32>
      %max3A_238 = arith.maximumf %add3A_234, %mul3A_237 : vector<16xf32>
      %eq3A_239 = arith.cmpi eq, %get3A_227, %get3A_44 : vector<16xi32>
      %jit3A_240 = arith.constant 0.000000e+00 : f32
      %broadcast_in_dim3A_241 = vector.broadcast %jit3A_240 : f32 to vector<16xf32>
      %select_n3A_242 = arith.select %eq3A_239, %max3A_238, %broadcast_in_dim3A_241 : vector<16xi1>, vector<16xf32>
      %add3A_243 = arith.addf %while3A_77, %select_n3A_242 : vector<16xf32>
      scf.yield %add3A_96, %add3A_117, %add3A_138, %add3A_159, %add3A_180, %add3A_201, %add3A_222, %add3A_243 : vector<16xf32>, vector<16xf32>, vector<16xf32>, vector<16xf32>, vector<16xf32>, vector<16xf32>, vector<16xf32>, vector<16xf32>
    }
    %while3A_57 = arith.constant 1 : i32
    %while3A_58:8 = scf.for %while3A_69 = %while3A_54 to %while3A_50 step %while3A_57 iter_args(%while3A_70 = %while3A_56#0, %while3A_71 = %while3A_56#1, %while3A_72 = %while3A_56#2, %while3A_73 = %while3A_56#3, %while3A_74 = %while3A_56#4, %while3A_75 = %while3A_56#5, %while3A_76 = %while3A_56#6, %while3A_77 = %while3A_56#7) -> (vector<16xf32>, vector<16xf32>, vector<16xf32>, vector<16xf32>, vector<16xf32>, vector<16xf32>, vector<16xf32>, vector<16xf32>)  : i32 {
      %get3A_78 = arith.constant 0 : i32
      %get3A_79 = arith.index_cast %while3A_69 : i32 to index
      %get3A_80 = arith.index_cast %get3A_78 : i32 to index
      %get3A_81 = arith.constant 0 : index
      %get3A_82 = tpu.vector_load %arg9[%get3A_79, %get3A_80, %get3A_81] {strides = array<i32>} : memref<157x2x128xi32, #tpu.memory_space<vmem>>, vector<16xi32>,
      %get3A_83 = arith.constant 1 : i32
      %get3A_84 = arith.index_cast %while3A_69 : i32 to index
      %get3A_85 = arith.index_cast %get3A_83 : i32 to index
      %get3A_86 = arith.constant 0 : index
      %get3A_87 = tpu.vector_load %arg9[%get3A_84, %get3A_85, %get3A_86] {strides = array<i32>} : memref<157x2x128xi32, #tpu.memory_space<vmem>>, vector<16xi32>,
      %gather3A = tpu.vector_load_idx %arg8[%get3A_87] : memref<10000xf32, #tpu.memory_space<vmem>>[vector<16xi32>], vector<16xf32>,
      %add3A_88 = arith.addf %get3A_46, %gather3A : vector<16xf32>
      %mul3A_89 = arith.constant 2.000000e-01 : f32
      %mul3A_90 = vector.broadcast %mul3A_89 : f32 to vector<16xf32>
      %mul3A_91 = arith.mulf %mul3A_90, %add3A_88 : vector<16xf32>
      %max3A = arith.maximumf %add3A_88, %mul3A_91 : vector<16xf32>
      %eq3A_92 = arith.cmpi eq, %get3A_82, %get3A_44 : vector<16xi32>
      %jit3A_93 = arith.constant 0.000000e+00 : f32
      %broadcast_in_dim3A_94 = vector.broadcast %jit3A_93 : f32 to vector<16xf32>
      %select_n3A_95 = arith.select %eq3A_92, %max3A, %broadcast_in_dim3A_94 : vector<16xi1>, vector<16xf32>
      %add3A_96 = arith.addf %while3A_70, %select_n3A_95 : vector<16xf32>
      %get3A_97 = arith.constant 0 : i32
      %get3A_98 = arith.index_cast %while3A_69 : i32 to index
      %get3A_99 = arith.index_cast %get3A_97 : i32 to index
      %get3A_100 = arith.constant 16 : index
      %get3A_101 = tpu.vector_load %arg9[%get3A_98, %get3A_99, %get3A_100] {strides = array<i32>} : memref<157x2x128xi32, #tpu.memory_space<vmem>>, vector<16xi32>,
      %get3A_102 = arith.constant 1 : i32
      %get3A_103 = arith.index_cast %while3A_69 : i32 to index
      %get3A_104 = arith.index_cast %get3A_102 : i32 to index
      %get3A_105 = arith.constant 16 : index
      %get3A_106 = tpu.vector_load %arg9[%get3A_103, %get3A_104, %get3A_105] {strides = array<i32>} : memref<157x2x128xi32, #tpu.memory_space<vmem>>, vector<16xi32>,
      %gather3A_107 = tpu.vector_load_idx %arg8[%get3A_106] : memref<10000xf32, #tpu.memory_space<vmem>>[vector<16xi32>], vector<16xf32>,
      %add3A_108 = arith.addf %get3A_46, %gather3A_107 : vector<16xf32>
      %mul3A_109 = arith.constant 2.000000e-01 : f32
      %mul3A_110 = vector.broadcast %mul3A_109 : f32 to vector<16xf32>
      %mul3A_111 = arith.mulf %mul3A_110, %add3A_108 : vector<16xf32>
      %max3A_112 = arith.maximumf %add3A_108, %mul3A_111 : vector<16xf32>
      %eq3A_113 = arith.cmpi eq, %get3A_101, %get3A_44 : vector<16xi32>
      %jit3A_114 = arith.constant 0.000000e+00 : f32
      %broadcast_in_dim3A_115 = vector.broadcast %jit3A_114 : f32 to vector<16xf32>
      %select_n3A_116 = arith.select %eq3A_113, %max3A_112, %broadcast_in_dim3A_115 : vector<16xi1>, vector<16xf32>
      %add3A_117 = arith.addf %while3A_71, %select_n3A_116 : vector<16xf32>
      %get3A_118 = arith.constant 0 : i32
      %get3A_119 = arith.index_cast %while3A_69 : i32 to index
      %get3A_120 = arith.index_cast %get3A_118 : i32 to index
      %get3A_121 = arith.constant 32 : index
      %get3A_122 = tpu.vector_load %arg9[%get3A_119, %get3A_120, %get3A_121] {strides = array<i32>} : memref<157x2x128xi32, #tpu.memory_space<vmem>>, vector<16xi32>,
      %get3A_123 = arith.constant 1 : i32
      %get3A_124 = arith.index_cast %while3A_69 : i32 to index
      %get3A_125 = arith.index_cast %get3A_123 : i32 to index
      %get3A_126 = arith.constant 32 : index
      %get3A_127 = tpu.vector_load %arg9[%get3A_124, %get3A_125, %get3A_126] {strides = array<i32>} : memref<157x2x128xi32, #tpu.memory_space<vmem>>, vector<16xi32>,
      %gather3A_128 = tpu.vector_load_idx %arg8[%get3A_127] : memref<10000xf32, #tpu.memory_space<vmem>>[vector<16xi32>], vector<16xf32>,
      %add3A_129 = arith.addf %get3A_46, %gather3A_128 : vector<16xf32>
      %mul3A_130 = arith.constant 2.000000e-01 : f32
      %mul3A_131 = vector.broadcast %mul3A_130 : f32 to vector<16xf32>
      %mul3A_132 = arith.mulf %mul3A_131, %add3A_129 : vector<16xf32>
      %max3A_133 = arith.maximumf %add3A_129, %mul3A_132 : vector<16xf32>
      %eq3A_134 = arith.cmpi eq, %get3A_122, %get3A_44 : vector<16xi32>
      %jit3A_135 = arith.constant 0.000000e+00 : f32
      %broadcast_in_dim3A_136 = vector.broadcast %jit3A_135 : f32 to vector<16xf32>
      %select_n3A_137 = arith.select %eq3A_134, %max3A_133, %broadcast_in_dim3A_136 : vector<16xi1>, vector<16xf32>
      %add3A_138 = arith.addf %while3A_72, %select_n3A_137 : vector<16xf32>
      %get3A_139 = arith.constant 0 : i32
      %get3A_140 = arith.index_cast %while3A_69 : i32 to index
      %get3A_141 = arith.index_cast %get3A_139 : i32 to index
      %get3A_142 = arith.constant 48 : index
      %get3A_143 = tpu.vector_load %arg9[%get3A_140, %get3A_141, %get3A_142] {strides = array<i32>} : memref<157x2x128xi32, #tpu.memory_space<vmem>>, vector<16xi32>,
      %get3A_144 = arith.constant 1 : i32
      %get3A_145 = arith.index_cast %while3A_69 : i32 to index
      %get3A_146 = arith.index_cast %get3A_144 : i32 to index
      %get3A_147 = arith.constant 48 : index
      %get3A_148 = tpu.vector_load %arg9[%get3A_145, %get3A_146, %get3A_147] {strides = array<i32>} : memref<157x2x128xi32, #tpu.memory_space<vmem>>, vector<16xi32>,
      %gather3A_149 = tpu.vector_load_idx %arg8[%get3A_148] : memref<10000xf32, #tpu.memory_space<vmem>>[vector<16xi32>], vector<16xf32>,
      %add3A_150 = arith.addf %get3A_46, %gather3A_149 : vector<16xf32>
      %mul3A_151 = arith.constant 2.000000e-01 : f32
      %mul3A_152 = vector.broadcast %mul3A_151 : f32 to vector<16xf32>
      %mul3A_153 = arith.mulf %mul3A_152, %add3A_150 : vector<16xf32>
      %max3A_154 = arith.maximumf %add3A_150, %mul3A_153 : vector<16xf32>
      %eq3A_155 = arith.cmpi eq, %get3A_143, %get3A_44 : vector<16xi32>
      %jit3A_156 = arith.constant 0.000000e+00 : f32
      %broadcast_in_dim3A_157 = vector.broadcast %jit3A_156 : f32 to vector<16xf32>
      %select_n3A_158 = arith.select %eq3A_155, %max3A_154, %broadcast_in_dim3A_157 : vector<16xi1>, vector<16xf32>
      %add3A_159 = arith.addf %while3A_73, %select_n3A_158 : vector<16xf32>
      %get3A_160 = arith.constant 0 : i32
      %get3A_161 = arith.index_cast %while3A_69 : i32 to index
      %get3A_162 = arith.index_cast %get3A_160 : i32 to index
      %get3A_163 = arith.constant 64 : index
      %get3A_164 = tpu.vector_load %arg9[%get3A_161, %get3A_162, %get3A_163] {strides = array<i32>} : memref<157x2x128xi32, #tpu.memory_space<vmem>>, vector<16xi32>,
      %get3A_165 = arith.constant 1 : i32
      %get3A_166 = arith.index_cast %while3A_69 : i32 to index
      %get3A_167 = arith.index_cast %get3A_165 : i32 to index
      %get3A_168 = arith.constant 64 : index
      %get3A_169 = tpu.vector_load %arg9[%get3A_166, %get3A_167, %get3A_168] {strides = array<i32>} : memref<157x2x128xi32, #tpu.memory_space<vmem>>, vector<16xi32>,
      %gather3A_170 = tpu.vector_load_idx %arg8[%get3A_169] : memref<10000xf32, #tpu.memory_space<vmem>>[vector<16xi32>], vector<16xf32>,
      %add3A_171 = arith.addf %get3A_46, %gather3A_170 : vector<16xf32>
      %mul3A_172 = arith.constant 2.000000e-01 : f32
      %mul3A_173 = vector.broadcast %mul3A_172 : f32 to vector<16xf32>
      %mul3A_174 = arith.mulf %mul3A_173, %add3A_171 : vector<16xf32>
      %max3A_175 = arith.maximumf %add3A_171, %mul3A_174 : vector<16xf32>
      %eq3A_176 = arith.cmpi eq, %get3A_164, %get3A_44 : vector<16xi32>
      %jit3A_177 = arith.constant 0.000000e+00 : f32
      %broadcast_in_dim3A_178 = vector.broadcast %jit3A_177 : f32 to vector<16xf32>
      %select_n3A_179 = arith.select %eq3A_176, %max3A_175, %broadcast_in_dim3A_178 : vector<16xi1>, vector<16xf32>
      %add3A_180 = arith.addf %while3A_74, %select_n3A_179 : vector<16xf32>
      %get3A_181 = arith.constant 0 : i32
      %get3A_182 = arith.index_cast %while3A_69 : i32 to index
      %get3A_183 = arith.index_cast %get3A_181 : i32 to index
      %get3A_184 = arith.constant 80 : index
      %get3A_185 = tpu.vector_load %arg9[%get3A_182, %get3A_183, %get3A_184] {strides = array<i32>} : memref<157x2x128xi32, #tpu.memory_space<vmem>>, vector<16xi32>,
      %get3A_186 = arith.constant 1 : i32
      %get3A_187 = arith.index_cast %while3A_69 : i32 to index
      %get3A_188 = arith.index_cast %get3A_186 : i32 to index
      %get3A_189 = arith.constant 80 : index
      %get3A_190 = tpu.vector_load %arg9[%get3A_187, %get3A_188, %get3A_189] {strides = array<i32>} : memref<157x2x128xi32, #tpu.memory_space<vmem>>, vector<16xi32>,
      %gather3A_191 = tpu.vector_load_idx %arg8[%get3A_190] : memref<10000xf32, #tpu.memory_space<vmem>>[vector<16xi32>], vector<16xf32>,
      %add3A_192 = arith.addf %get3A_46, %gather3A_191 : vector<16xf32>
      %mul3A_193 = arith.constant 2.000000e-01 : f32
      %mul3A_194 = vector.broadcast %mul3A_193 : f32 to vector<16xf32>
      %mul3A_195 = arith.mulf %mul3A_194, %add3A_192 : vector<16xf32>
      %max3A_196 = arith.maximumf %add3A_192, %mul3A_195 : vector<16xf32>
      %eq3A_197 = arith.cmpi eq, %get3A_185, %get3A_44 : vector<16xi32>
      %jit3A_198 = arith.constant 0.000000e+00 : f32
      %broadcast_in_dim3A_199 = vector.broadcast %jit3A_198 : f32 to vector<16xf32>
      %select_n3A_200 = arith.select %eq3A_197, %max3A_196, %broadcast_in_dim3A_199 : vector<16xi1>, vector<16xf32>
      %add3A_201 = arith.addf %while3A_75, %select_n3A_200 : vector<16xf32>
      %get3A_202 = arith.constant 0 : i32
      %get3A_203 = arith.index_cast %while3A_69 : i32 to index
      %get3A_204 = arith.index_cast %get3A_202 : i32 to index
      %get3A_205 = arith.constant 96 : index
      %get3A_206 = tpu.vector_load %arg9[%get3A_203, %get3A_204, %get3A_205] {strides = array<i32>} : memref<157x2x128xi32, #tpu.memory_space<vmem>>, vector<16xi32>,
      %get3A_207 = arith.constant 1 : i32
      %get3A_208 = arith.index_cast %while3A_69 : i32 to index
      %get3A_209 = arith.index_cast %get3A_207 : i32 to index
      %get3A_210 = arith.constant 96 : index
      %get3A_211 = tpu.vector_load %arg9[%get3A_208, %get3A_209, %get3A_210] {strides = array<i32>} : memref<157x2x128xi32, #tpu.memory_space<vmem>>, vector<16xi32>,
      %gather3A_212 = tpu.vector_load_idx %arg8[%get3A_211] : memref<10000xf32, #tpu.memory_space<vmem>>[vector<16xi32>], vector<16xf32>,
      %add3A_213 = arith.addf %get3A_46, %gather3A_212 : vector<16xf32>
      %mul3A_214 = arith.constant 2.000000e-01 : f32
      %mul3A_215 = vector.broadcast %mul3A_214 : f32 to vector<16xf32>
      %mul3A_216 = arith.mulf %mul3A_215, %add3A_213 : vector<16xf32>
      %max3A_217 = arith.maximumf %add3A_213, %mul3A_216 : vector<16xf32>
      %eq3A_218 = arith.cmpi eq, %get3A_206, %get3A_44 : vector<16xi32>
      %jit3A_219 = arith.constant 0.000000e+00 : f32
      %broadcast_in_dim3A_220 = vector.broadcast %jit3A_219 : f32 to vector<16xf32>
      %select_n3A_221 = arith.select %eq3A_218, %max3A_217, %broadcast_in_dim3A_220 : vector<16xi1>, vector<16xf32>
      %add3A_222 = arith.addf %while3A_76, %select_n3A_221 : vector<16xf32>
      %get3A_223 = arith.constant 0 : i32
      %get3A_224 = arith.index_cast %while3A_69 : i32 to index
      %get3A_225 = arith.index_cast %get3A_223 : i32 to index
      %get3A_226 = arith.constant 112 : index
      %get3A_227 = tpu.vector_load %arg9[%get3A_224, %get3A_225, %get3A_226] {strides = array<i32>} : memref<157x2x128xi32, #tpu.memory_space<vmem>>, vector<16xi32>,
      %get3A_228 = arith.constant 1 : i32
      %get3A_229 = arith.index_cast %while3A_69 : i32 to index
      %get3A_230 = arith.index_cast %get3A_228 : i32 to index
      %get3A_231 = arith.constant 112 : index
      %get3A_232 = tpu.vector_load %arg9[%get3A_229, %get3A_230, %get3A_231] {strides = array<i32>} : memref<157x2x128xi32, #tpu.memory_space<vmem>>, vector<16xi32>,
      %gather3A_233 = tpu.vector_load_idx %arg8[%get3A_232] : memref<10000xf32, #tpu.memory_space<vmem>>[vector<16xi32>], vector<16xf32>,
      %add3A_234 = arith.addf %get3A_46, %gather3A_233 : vector<16xf32>
      %mul3A_235 = arith.constant 2.000000e-01 : f32
      %mul3A_236 = vector.broadcast %mul3A_235 : f32 to vector<16xf32>
      %mul3A_237 = arith.mulf %mul3A_236, %add3A_234 : vector<16xf32>
      %max3A_238 = arith.maximumf %add3A_234, %mul3A_237 : vector<16xf32>
      %eq3A_239 = arith.cmpi eq, %get3A_227, %get3A_44 : vector<16xi32>
      %jit3A_240 = arith.constant 0.000000e+00 : f32
      %broadcast_in_dim3A_241 = vector.broadcast %jit3A_240 : f32 to vector<16xf32>
      %select_n3A_242 = arith.select %eq3A_239, %max3A_238, %broadcast_in_dim3A_241 : vector<16xi1>, vector<16xf32>
      %add3A_243 = arith.addf %while3A_77, %select_n3A_242 : vector<16xf32>
      scf.yield %add3A_96, %add3A_117, %add3A_138, %add3A_159, %add3A_180, %add3A_201, %add3A_222, %add3A_243 : vector<16xf32>, vector<16xf32>, vector<16xf32>, vector<16xf32>, vector<16xf32>, vector<16xf32>, vector<16xf32>, vector<16xf32>
    }
    %add3A_59 = arith.addf %while3A_58#0, %while3A_58#1 : vector<16xf32>
    %add3A_60 = arith.addf %while3A_58#2, %while3A_58#3 : vector<16xf32>
    %add3A_61 = arith.addf %add3A_59, %add3A_60 : vector<16xf32>
    %add3A_62 = arith.addf %while3A_58#4, %while3A_58#5 : vector<16xf32>
    %add3A_63 = arith.addf %while3A_58#6, %while3A_58#7 : vector<16xf32>
    %add3A_64 = arith.addf %add3A_62, %add3A_63 : vector<16xf32>
    %add3A_65 = arith.addf %add3A_61, %add3A_64 : vector<16xf32>
    %swap3A = arith.constant 0 : index
    %swap3A_66 = tpu.vector_load %arg13[%swap3A] {strides = array<i32>} : memref<16xf32, #tpu.memory_space<vmem>>, vector<16xf32>,
    tpu.vector_store %arg13[%swap3A], %add3A_65 {strides = array<i32>} : memref<16xf32, #tpu.memory_space<vmem>>, vector<16xf32>,
    "tpu.region"() ({
      %run_scoped3A = tpu.sem_alloc : memref<!tpu.dma_semaphore, #tpu.memory_space<semaphore_mem>>
      %dma_start3A = arith.constant 0 : i32
      %dma_start3A_69 = tpu.memref_slice %arg14[%arg1, %dma_start3A] : memref<16x16xf32, #tpu.memory_space<vmem_shared>> -> memref<1x16xf32, #tpu.memory_space<vmem_shared>>
      %dma_start3A_70 = tpu.memref_squeeze %dma_start3A_69 : memref<1x16xf32, #tpu.memory_space<vmem_shared>> -> memref<16xf32, #tpu.memory_space<vmem_shared>>
      %dma_start3A_71 = arith.constant 0 : i32
      %dma_start3A_72 = tpu.memref_slice %arg14[%arg1, %dma_start3A_71] : memref<16x16xf32, #tpu.memory_space<vmem_shared>> -> memref<1x16xf32, #tpu.memory_space<vmem_shared>>
      %dma_start3A_73 = tpu.memref_squeeze %dma_start3A_72 : memref<1x16xf32, #tpu.memory_space<vmem_shared>> -> memref<16xf32, #tpu.memory_space<vmem_shared>>
      tpu.enqueue_dma source(%arg13 : memref<16xf32, #tpu.memory_space<vmem>>) target(%dma_start3A_73 : memref<16xf32, #tpu.memory_space<vmem_shared>>) target_semaphore(%run_scoped3A : memref<!tpu.dma_semaphore, #tpu.memory_space<semaphore_mem>>)
      %dma_wait3A = arith.constant 0 : i32
      %dma_wait3A_74 = tpu.memref_slice %arg14[%arg1, %dma_wait3A] : memref<16x16xf32, #tpu.memory_space<vmem_shared>> -> memref<1x16xf32, #tpu.memory_space<vmem_shared>>
      %dma_wait3A_75 = tpu.memref_squeeze %dma_wait3A_74 : memref<1x16xf32, #tpu.memory_space<vmem_shared>> -> memref<16xf32, #tpu.memory_space<vmem_shared>>
      %dma_wait3A_76 = arith.constant 0 : i32
      %dma_wait3A_77 = tpu.memref_slice %arg14[%arg1, %dma_wait3A_76] : memref<16x16xf32, #tpu.memory_space<vmem_shared>> -> memref<1x16xf32, #tpu.memory_space<vmem_shared>>
      %dma_wait3A_78 = tpu.memref_squeeze %dma_wait3A_77 : memref<1x16xf32, #tpu.memory_space<vmem_shared>> -> memref<16xf32, #tpu.memory_space<vmem_shared>>
      tpu.wait_dma2 semaphore(%run_scoped3A : memref<!tpu.dma_semaphore, #tpu.memory_space<semaphore_mem>>) src(%arg13 : memref<16xf32, #tpu.memory_space<vmem>>) dst(%dma_wait3A_78 : memref<16xf32, #tpu.memory_space<vmem_shared>>)
      tpu.yield
    }) : () -> ()
    %barrier3A = arith.constant 0 : index
    tpu.barrier barrier_id(%barrier3A)
    %eq3A = arith.constant 0 : i32
    %eq3A_67 = arith.cmpi eq, %arg1, %eq3A : i32
    %convert_element_type3A = arith.extui %eq3A_67 : i1 to i32
    %cond3A = arith.constant 0 : i32
    %cond3A_68 = arith.cmpi ne, %convert_element_type3A, %cond3A : i32
    scf.if %cond3A_68 {
      "tpu.region"() ({
        %run_scoped3A = tpu.sem_alloc : memref<!tpu.dma_semaphore, #tpu.memory_space<semaphore_mem>>
        tpu.enqueue_dma source(%arg14 : memref<16x16xf32, #tpu.memory_space<vmem_shared>>) target(%arg15 : memref<16x16xf32, #tpu.memory_space<vmem>>) target_semaphore(%run_scoped3A : memref<!tpu.dma_semaphore, #tpu.memory_space<semaphore_mem>>)
        tpu.wait_dma2 semaphore(%run_scoped3A : memref<!tpu.dma_semaphore, #tpu.memory_space<semaphore_mem>>) src(%arg14 : memref<16x16xf32, #tpu.memory_space<vmem_shared>>) dst(%arg15 : memref<16x16xf32, #tpu.memory_space<vmem>>)
        tpu.yield
      }) : () -> ()
      %broadcast_in_dim3A_69 = arith.constant 0.000000e+00 : f32
      %broadcast_in_dim3A_70 = vector.broadcast %broadcast_in_dim3A_69 : f32 to vector<16xf32>
      %get3A_71 = arith.constant 0 : i32
      %get3A_72 = arith.index_cast %get3A_71 : i32 to index
      %get3A_73 = arith.constant 0 : index
      %get3A_74 = tpu.vector_load %arg15[%get3A_72, %get3A_73] {strides = array<i32>} : memref<16x16xf32, #tpu.memory_space<vmem>>, vector<16xf32>,
      %add3A_75 = arith.addf %broadcast_in_dim3A_70, %get3A_74 : vector<16xf32>
      %get3A_76 = arith.constant 1 : i32
      %get3A_77 = arith.index_cast %get3A_76 : i32 to index
      %get3A_78 = arith.constant 0 : index
      %get3A_79 = tpu.vector_load %arg15[%get3A_77, %get3A_78] {strides = array<i32>} : memref<16x16xf32, #tpu.memory_space<vmem>>, vector<16xf32>,
      %add3A_80 = arith.addf %add3A_75, %get3A_79 : vector<16xf32>
      %get3A_81 = arith.constant 2 : i32
      %get3A_82 = arith.index_cast %get3A_81 : i32 to index
      %get3A_83 = arith.constant 0 : index
      %get3A_84 = tpu.vector_load %arg15[%get3A_82, %get3A_83] {strides = array<i32>} : memref<16x16xf32, #tpu.memory_space<vmem>>, vector<16xf32>,
      %add3A_85 = arith.addf %add3A_80, %get3A_84 : vector<16xf32>
      %get3A_86 = arith.constant 3 : i32
      %get3A_87 = arith.index_cast %get3A_86 : i32 to index
      %get3A_88 = arith.constant 0 : index
      %get3A_89 = tpu.vector_load %arg15[%get3A_87, %get3A_88] {strides = array<i32>} : memref<16x16xf32, #tpu.memory_space<vmem>>, vector<16xf32>,
      %add3A_90 = arith.addf %add3A_85, %get3A_89 : vector<16xf32>
      %get3A_91 = arith.constant 4 : i32
      %get3A_92 = arith.index_cast %get3A_91 : i32 to index
      %get3A_93 = arith.constant 0 : index
      %get3A_94 = tpu.vector_load %arg15[%get3A_92, %get3A_93] {strides = array<i32>} : memref<16x16xf32, #tpu.memory_space<vmem>>, vector<16xf32>,
      %add3A_95 = arith.addf %add3A_90, %get3A_94 : vector<16xf32>
      %get3A_96 = arith.constant 5 : i32
      %get3A_97 = arith.index_cast %get3A_96 : i32 to index
      %get3A_98 = arith.constant 0 : index
      %get3A_99 = tpu.vector_load %arg15[%get3A_97, %get3A_98] {strides = array<i32>} : memref<16x16xf32, #tpu.memory_space<vmem>>, vector<16xf32>,
      %add3A_100 = arith.addf %add3A_95, %get3A_99 : vector<16xf32>
      %get3A_101 = arith.constant 6 : i32
      %get3A_102 = arith.index_cast %get3A_101 : i32 to index
      %get3A_103 = arith.constant 0 : index
      %get3A_104 = tpu.vector_load %arg15[%get3A_102, %get3A_103] {strides = array<i32>} : memref<16x16xf32, #tpu.memory_space<vmem>>, vector<16xf32>,
      %add3A_105 = arith.addf %add3A_100, %get3A_104 : vector<16xf32>
      %get3A_106 = arith.constant 7 : i32
      %get3A_107 = arith.index_cast %get3A_106 : i32 to index
      %get3A_108 = arith.constant 0 : index
      %get3A_109 = tpu.vector_load %arg15[%get3A_107, %get3A_108] {strides = array<i32>} : memref<16x16xf32, #tpu.memory_space<vmem>>, vector<16xf32>,
      %add3A_110 = arith.addf %add3A_105, %get3A_109 : vector<16xf32>
      %get3A_111 = arith.constant 8 : i32
      %get3A_112 = arith.index_cast %get3A_111 : i32 to index
      %get3A_113 = arith.constant 0 : index
      %get3A_114 = tpu.vector_load %arg15[%get3A_112, %get3A_113] {strides = array<i32>} : memref<16x16xf32, #tpu.memory_space<vmem>>, vector<16xf32>,
      %add3A_115 = arith.addf %add3A_110, %get3A_114 : vector<16xf32>
      %get3A_116 = arith.constant 9 : i32
      %get3A_117 = arith.index_cast %get3A_116 : i32 to index
      %get3A_118 = arith.constant 0 : index
      %get3A_119 = tpu.vector_load %arg15[%get3A_117, %get3A_118] {strides = array<i32>} : memref<16x16xf32, #tpu.memory_space<vmem>>, vector<16xf32>,
      %add3A_120 = arith.addf %add3A_115, %get3A_119 : vector<16xf32>
      %get3A_121 = arith.constant 10 : i32
      %get3A_122 = arith.index_cast %get3A_121 : i32 to index
      %get3A_123 = arith.constant 0 : index
      %get3A_124 = tpu.vector_load %arg15[%get3A_122, %get3A_123] {strides = array<i32>} : memref<16x16xf32, #tpu.memory_space<vmem>>, vector<16xf32>,
      %add3A_125 = arith.addf %add3A_120, %get3A_124 : vector<16xf32>
      %get3A_126 = arith.constant 11 : i32
      %get3A_127 = arith.index_cast %get3A_126 : i32 to index
      %get3A_128 = arith.constant 0 : index
      %get3A_129 = tpu.vector_load %arg15[%get3A_127, %get3A_128] {strides = array<i32>} : memref<16x16xf32, #tpu.memory_space<vmem>>, vector<16xf32>,
      %add3A_130 = arith.addf %add3A_125, %get3A_129 : vector<16xf32>
      %get3A_131 = arith.constant 12 : i32
      %get3A_132 = arith.index_cast %get3A_131 : i32 to index
      %get3A_133 = arith.constant 0 : index
      %get3A_134 = tpu.vector_load %arg15[%get3A_132, %get3A_133] {strides = array<i32>} : memref<16x16xf32, #tpu.memory_space<vmem>>, vector<16xf32>,
      %add3A_135 = arith.addf %add3A_130, %get3A_134 : vector<16xf32>
      %get3A_136 = arith.constant 13 : i32
      %get3A_137 = arith.index_cast %get3A_136 : i32 to index
      %get3A_138 = arith.constant 0 : index
      %get3A_139 = tpu.vector_load %arg15[%get3A_137, %get3A_138] {strides = array<i32>} : memref<16x16xf32, #tpu.memory_space<vmem>>, vector<16xf32>,
      %add3A_140 = arith.addf %add3A_135, %get3A_139 : vector<16xf32>
      %get3A_141 = arith.constant 14 : i32
      %get3A_142 = arith.index_cast %get3A_141 : i32 to index
      %get3A_143 = arith.constant 0 : index
      %get3A_144 = tpu.vector_load %arg15[%get3A_142, %get3A_143] {strides = array<i32>} : memref<16x16xf32, #tpu.memory_space<vmem>>, vector<16xf32>,
      %add3A_145 = arith.addf %add3A_140, %get3A_144 : vector<16xf32>
      %get3A_146 = arith.constant 15 : i32
      %get3A_147 = arith.index_cast %get3A_146 : i32 to index
      %get3A_148 = arith.constant 0 : index
      %get3A_149 = tpu.vector_load %arg15[%get3A_147, %get3A_148] {strides = array<i32>} : memref<16x16xf32, #tpu.memory_space<vmem>>, vector<16xf32>,
      %add3A_150 = arith.addf %add3A_145, %get3A_149 : vector<16xf32>
      %reduce_sum3A = arith.constant true
      %reduce_sum3A_151 = vector.broadcast %reduce_sum3A : i1 to vector<16xi1>
      %reduce_sum3A_152 = tpu.scan <sum>, %add3A_150 masked %reduce_sum3A_151 : vector<16xf32>, vector<16xi1> -> vector<16xf32>
      %reduce_sum3A_153 = vector.extract %reduce_sum3A_152[15] : f32 from vector<16xf32>
      %get3A_154 = arith.constant 0 : index
      %get3A_155 = tpu.vector_load %arg12[%get3A_154] {strides = array<i32>} : memref<16xf32, #tpu.memory_space<vmem>>, vector<16xf32>,
      %div3A_156 = vector.broadcast %reduce_sum3A_153 : f32 to vector<16xf32>
      %div3A_157 = arith.divf %get3A_155, %div3A_156 : vector<16xf32>
      %swap3A_158 = arith.constant 0 : index
      %swap3A_159 = tpu.vector_load %arg13[%swap3A_158] {strides = array<i32>} : memref<16xf32, #tpu.memory_space<vmem>>, vector<16xf32>,
      tpu.vector_store %arg13[%swap3A_158], %div3A_157 {strides = array<i32>} : memref<16xf32, #tpu.memory_space<vmem>>, vector<16xf32>,
      "tpu.region"() ({
        %run_scoped3A = tpu.sem_alloc : memref<!tpu.dma_semaphore, #tpu.memory_space<semaphore_mem>>
        tpu.enqueue_dma source(%arg13 : memref<16xf32, #tpu.memory_space<vmem>>) target(%arg7 : memref<16xf32, #tpu.memory_space<hbm>>) target_semaphore(%run_scoped3A : memref<!tpu.dma_semaphore, #tpu.memory_space<semaphore_mem>>)
        tpu.wait_dma2 semaphore(%run_scoped3A : memref<!tpu.dma_semaphore, #tpu.memory_space<semaphore_mem>>) src(%arg13 : memref<16xf32, #tpu.memory_space<vmem>>) dst(%arg7 : memref<16xf32, #tpu.memory_space<hbm>>)
        tpu.yield
      }) : () -> ()
    } else {
    }
    return
  }
}

module attributes {stable_mosaic.version = 14 : i64} {
  func.func @_prep_body(%arg0: memref<10000x128xf32, #tpu.memory_space<vmem>>, %arg1: memref<1x256xf32, #tpu.memory_space<vmem>>, %arg2: memref<2xi32, #tpu.memory_space<smem>>, %arg3: memref<1xf32, #tpu.memory_space<smem>>, %arg4: memref<10000xf32, #tpu.memory_space<vmem>>, %arg5: memref<16xf32, #tpu.memory_space<vmem>>, %arg6: memref<16xf32, #tpu.memory_space<vmem>>, %arg7: memref<16xi32, #tpu.memory_space<vmem>>) attributes {dimension_semantics = [], scalar_prefetch = 0 : i64, scratch_operands = 0 : i64, tpu.core_type = #tpu.core_type<tc>} {
    %get3A = arith.constant 0 : index
    %get3A_0 = arith.constant 0 : index
    %get3A_1 = vector.load %arg1[%get3A, %get3A_0] : memref<1x256xf32, #tpu.memory_space<vmem>>, vector<1x256xf32>
    %reshape3A = vector.shape_cast %get3A_1 : vector<1x256xf32> to vector<2x128xf32>
    %get3A_2 = arith.constant 0 : index
    %get3A_3 = arith.constant 0 : index
    %get3A_4 = vector.load %arg0[%get3A_2, %get3A_3] : memref<10000x128xf32, #tpu.memory_space<vmem>>, vector<10000x128xf32>
    %dot_general3A = arith.constant dense<0.000000e+00> : vector<10000x2xf32>
    %dot_general3A_5 = tpu.matmul %get3A_4, %reshape3A, %dot_general3A {dimension_numbers = #tpu.dot_dimension_numbers<[1], [1], [0], [0], [0, 0, 1, 0], [], []>, precision = #tpu.contract_precision<fp32>, transpose_lhs_hint = false} : vector<10000x128xf32>, vector<2x128xf32>, vector<10000x2xf32> -> vector<10000x2xf32>
    %transpose3A = tpu.transpose %dot_general3A_5, [1, 0] : vector<10000x2xf32> -> vector<2x10000xf32>
    %slice3A = vector.extract_strided_slice %transpose3A {offsets = [1, 0], sizes = [1, 10000], strides = [1, 1]} : vector<2x10000xf32> to vector<1x10000xf32>
    %squeeze3A = vector.shape_cast %slice3A : vector<1x10000xf32> to vector<10000xf32>
    %swap3A = arith.constant 0 : index
    %swap3A_6 = vector.load %arg4[%swap3A] : memref<10000xf32, #tpu.memory_space<vmem>>, vector<10000xf32>
    tpu.vector_store %arg4[%swap3A], %squeeze3A {strides = array<i32>} : memref<10000xf32, #tpu.memory_space<vmem>>, vector<10000xf32>,
    %get3A_7 = arith.constant 0 : index
    %get3A_8 = memref.load %arg2[%get3A_7] : memref<2xi32, #tpu.memory_space<smem>>
    %get3A_9 = arith.constant 1 : index
    %get3A_10 = memref.load %arg2[%get3A_9] : memref<2xi32, #tpu.memory_space<smem>>
    %get3A_11 = arith.index_cast %get3A_8 : i32 to index
    %get3A_12 = arith.constant 0 : index
    %get3A_13 = vector.load %arg0[%get3A_11, %get3A_12] : memref<10000x128xf32, #tpu.memory_space<vmem>>, vector<1x128xf32>
    %dot_general3A_14 = arith.constant dense<0.000000e+00> : vector<1x2xf32>
    %dot_general3A_15 = tpu.matmul %get3A_13, %reshape3A, %dot_general3A_14 {dimension_numbers = #tpu.dot_dimension_numbers<[1], [1], [0], [0], [0, 0, 1, 0], [], []>, precision = #tpu.contract_precision<fp32>, transpose_lhs_hint = false} : vector<1x128xf32>, vector<2x128xf32>, vector<1x2xf32> -> vector<1x2xf32>
    %get3A_16 = arith.index_cast %get3A_10 : i32 to index
    %get3A_17 = arith.constant 0 : index
    %get3A_18 = vector.load %arg0[%get3A_16, %get3A_17] : memref<10000x128xf32, #tpu.memory_space<vmem>>, vector<1x128xf32>
    %dot_general3A_19 = arith.constant dense<0.000000e+00> : vector<1x2xf32>
    %dot_general3A_20 = tpu.matmul %get3A_18, %reshape3A, %dot_general3A_19 {dimension_numbers = #tpu.dot_dimension_numbers<[1], [1], [0], [0], [0, 0, 1, 0], [], []>, precision = #tpu.contract_precision<fp32>, transpose_lhs_hint = false} : vector<1x128xf32>, vector<2x128xf32>, vector<1x2xf32> -> vector<1x2xf32>
    %slice3A_21 = vector.extract_strided_slice %dot_general3A_15 {offsets = [0, 0], sizes = [1, 1], strides = [1, 1]} : vector<1x2xf32> to vector<1x1xf32>
    %squeeze3A_22 = vector.shape_cast %slice3A_21 : vector<1x1xf32> to vector<1xf32>
    %get3A_23 = arith.constant 0 : index
    %get3A_24 = memref.load %arg3[%get3A_23] : memref<1xf32, #tpu.memory_space<smem>>
    %add3A = vector.broadcast %get3A_24 : f32 to vector<1xf32>
    %add3A_25 = arith.addf %squeeze3A_22, %add3A : vector<1xf32>
    %slice3A_26 = vector.extract_strided_slice %dot_general3A_20 {offsets = [0, 1], sizes = [1, 1], strides = [1, 1]} : vector<1x2xf32> to vector<1x1xf32>
    %squeeze3A_27 = vector.shape_cast %slice3A_26 : vector<1x1xf32> to vector<1xf32>
    %add3A_28 = arith.addf %add3A_25, %squeeze3A_27 : vector<1xf32>
    %ge3A = arith.constant 0.000000e+00 : f32
    %ge3A_29 = vector.broadcast %ge3A : f32 to vector<1xf32>
    %ge3A_30 = arith.cmpf oge, %add3A_28, %ge3A_29 : vector<1xf32>
    %mul3A = arith.constant 2.000000e-01 : f32
    %mul3A_31 = vector.broadcast %mul3A : f32 to vector<1xf32>
    %mul3A_32 = arith.mulf %mul3A_31, %add3A_28 : vector<1xf32>
    %select_n3A = arith.select %ge3A_30, %add3A_28, %mul3A_32 : vector<1xi1>, vector<1xf32>
    %broadcast_in_dim3A = vector.shape_cast %add3A_25 : vector<1xf32> to vector<1xf32>
    %broadcast_in_dim3A_33 = vector.broadcast %broadcast_in_dim3A : vector<1xf32> to vector<16xf32>
    %swap3A_34 = arith.constant 0 : index
    %swap3A_35 = vector.load %arg5[%swap3A_34] : memref<16xf32, #tpu.memory_space<vmem>>, vector<16xf32>
    tpu.vector_store %arg5[%swap3A_34], %broadcast_in_dim3A_33 {strides = array<i32>} : memref<16xf32, #tpu.memory_space<vmem>>, vector<16xf32>,
    %broadcast_in_dim3A_36 = vector.shape_cast %select_n3A : vector<1xf32> to vector<1xf32>
    %broadcast_in_dim3A_37 = vector.broadcast %broadcast_in_dim3A_36 : vector<1xf32> to vector<16xf32>
    %swap3A_38 = arith.constant 0 : index
    %swap3A_39 = vector.load %arg6[%swap3A_38] : memref<16xf32, #tpu.memory_space<vmem>>, vector<16xf32>
    tpu.vector_store %arg6[%swap3A_38], %broadcast_in_dim3A_37 {strides = array<i32>} : memref<16xf32, #tpu.memory_space<vmem>>, vector<16xf32>,
    %broadcast_in_dim3A_40 = vector.broadcast %get3A_8 : i32 to vector<16xi32>
    %swap3A_41 = arith.constant 0 : index
    %swap3A_42 = vector.load %arg7[%swap3A_41] : memref<16xi32, #tpu.memory_space<vmem>>, vector<16xi32>
    tpu.vector_store %arg7[%swap3A_41], %broadcast_in_dim3A_40 {strides = array<i32>} : memref<16xi32, #tpu.memory_space<vmem>>, vector<16xi32>,
    return
  }
}

</mosaic_0001>

<sc_bundles>
// kernel: kernel.4.cloned.1.call-start
scs
__scs_entry_jumppad:
0x0: {  	(pc) =	sbr.rel $0x88, $3  }
0x1: {  	(tag) =	ssettag $0x0;
	lr =	simm.s32 $0x1  }
0x2: {  	[smem:$0x3F9B] =	sst lr;
	_ =	strace $0xD0000000  }
0x3: {  	_ = 	snop  }
0x4: {  	_ = 	snop  }
0x5: {  	_ = 	snop  }
0x6: {  	_ = 	snop  }
0x7: {  	_ = 	snop  }
__scs_overlays_trampoline_lowered:
0x8: {  	[smem:$0x3FAA] =	sst s0  }
0x9: {  	[smem:$0x3FAB] =	sst s1  }
0xa: {  	[smem:$0x3FAC] =	sst s2  }
0xb: {  	[smem:$0x3FAD] =	sst s3  }
0xc: {  	[smem:$0x3FAE] =	sst s4  }
0xd: {  	[smem:$0x3FAF] =	sst s5  }
0xe: {  	[smem:$0x3FB0] =	sst s6  }
0xf: {  	[smem:$0x3FB1] =	sst s7  }
0x10: {  	[smem:$0x3FB2] =	sst s8  }
0x11: {  	[smem:$0x3FB3] =	sst s9;
	s0 =	simm.s32 @!p0 $0x0  }
0x12: {  	s1 =	sld [smem:$0x3F99];
	s0 =	simm.s32 @p0 $0x1  }
0x13: {  	[smem:$0x3FB4] =	sst s0;
	s0 =	simm.s32 @!p1 $0x0  }
0x14: {  	s2 =	sld [smem:$0x3F98];
	s0 =	simm.s32 @p1 $0x1  }
0x15: {  	[smem:$0x3FB5] =	sst s0;
	s0 =	simm.s32 @!p2 $0x0  }
0x16: {  	s3 =	sld [smem:$0x3FDB];
	s0 =	simm.s32 @p2 $0x1  }
0x17: {  	s4 =	simm.s32 $0x1BF5;
	[smem:$0x3FB7] =	sst s0  }
0x18: {  	s0 =	sld [smem:$0x3F9A];
	_ =	swait.ge [sflag:s4], $0x0  }
0x19: {  	s7 =	sld [smem:$0x3F9B]  }
0x1a: {  	s8 =	sadd.s32 $0xFFFFE003, lr  }
0x1b: {  	s9 =	sadd.s32 $0xFFFFFEF7, lr;
	s5 =	simm.s32 $0xFFFFFFFF;
	p2 =	slt.u32 s8, $0xFFFFF086  }
0x1c: {  	p1 =	slt.u32 s9, $0xF7A;
	s5 =	simm.s32 @!p2 $0x0  }
0x1d: {  	s5 =	simm.s32 @p1 $0x1;
	p0 =	seq.s32 s7, s2  }
0x1e: {  	s7 =	smul.u32 @!p0 $0xF7A, s2;
	p2 =	seq.s32 @!p0 s5, $0x0  }
0x1f: {  	s9 =	smul.u32 $0xF7A, s1;
	s8 =	simm.s32 @!p0 $0x1BF5;
	p2 =	por !p2, p0  }
0x20: {  	[sflag:s8] =	ssyncset.s32 @!p0 $0xFFFFF086;
	s6 =	sadd.s32 @!p0 s3, s7;
	s7 =	simm.s32 @!p0 $0x108  }
0x21: {  	s3 =	sadd.s32 s3, s9;
	s6 =	sadd.s32 @!p0 $0x88, s6;
	s7 =	simm.s32 @p2 $0x1082  }
0x22: {  	[simem:s7], [sflag:s8] =	dma.local @!p0 [hbm:s6], $0xF7A  }
0x23: {  	s9 =	sor.u32 $0xD0000000, s2;
	s6 =	simm.s32 $0x108;
	_ =	swait.ge @!p0 [sflag:s8], $0x0  }
0x24: {  	s3 =	sadd.s32 $0x88, s3;
	s6 =	simm.s32 @!p1 $0x1082;
	[sflag:s4] =	ssyncset.s32 $0xFFFFF086  }
0x25: {  	[simem:s6], [sflag:s4] =	dma.local [hbm:s3], $0xF7A  }
0x26: {  	[smem:$0x3F9B] =	sst s1;
	(tag) =	ssettag s2;
	_ =	strace s9  }
0x27: {  	s1 =	sld [smem:$0x3FAB]  }
0x28: {  	s2 =	sld [smem:$0x3FAC]  }
0x29: {  	s4 =	sld [smem:$0x3FAE]  }
0x2a: {  	p0 =	seq.s32 s5, $0x0;
	s5 =	sld [smem:$0x3FAF]  }
0x2b: {  	s6 =	sld [smem:$0x3FB0]  }
0x2c: {  	s7 =	sld [smem:$0x3FB1]  }
0x2d: {  	s3 =	simm.s32 $0x108;
	s8 =	sld [smem:$0x3FB2]  }
0x2e: {  	s3 =	simm.s32 @!p0 $0x1082;
	s9 =	sld [smem:$0x3FB3]  }
0x2f: {  	lr =	sadd.s32 s0, s3;
	s0 =	sld [smem:$0x3FAA]  }
0x30: {  	s3 =	sld [smem:$0x3FAD]  }
0x31: {  	[smem:$0x3FB6] =	sst s10  }
0x32: {  	s10 =	sld [smem:$0x3FB4];
	_ =	sdelay $0x3  }
0x33: {  	p0 =	seq.s32 s10, $0x1;
	s10 =	sld [smem:$0x3FB6];
	_ =	sdelay $0x3  }
0x34: {  	[smem:$0x3FB6] =	sst s10  }
0x35: {  	s10 =	sld [smem:$0x3FB5];
	_ =	sdelay $0x3  }
0x36: {  	p1 =	seq.s32 s10, $0x1;
	s10 =	sld [smem:$0x3FB6];
	_ =	sdelay $0x3  }
0x37: {  	[smem:$0x3FB6] =	sst s10  }
0x38: {  	s10 =	sld [smem:$0x3FB7]  }
0x39: {  	_ = 	snop;
	(pc) =	sbr.ind lr, $3  }
0x3a: {  	_ = 	snop  }
0x3b: {  	_ = 	snop  }
0x3c: {  	p2 =	seq.s32 s10, $0x1;
	s10 =	sld [smem:$0x3FB6]  }
0x3d: {  	_ =	shalt  }
0x3e: {  	_ =	shalt  }
0x3f: {  	_ =	shalt  }
0x40: {  	_ =	shalt  }
0x41: {  	_ =	shalt  }
0x42: {  	_ =	shalt  }
0x43: {  	_ =	shalt  }
0x44: {  	_ =	shalt  }
0x45: {  	_ =	shalt  }
0x46: {  	_ =	shalt  }
0x47: {  	_ =	shalt  }
0x48: {  	_ =	shalt  }
0x49: {  	_ =	shalt  }
0x4a: {  	_ =	shalt  }
0x4b: {  	_ =	shalt  }
0x4c: {  	_ =	shalt  }
0x4d: {  	_ =	shalt  }
0x4e: {  	_ =	shalt  }
0x4f: {  	_ =	shalt  }
0x50: {  	_ =	shalt  }
0x51: {  	_ =	shalt  }
0x52: {  	_ =	shalt  }
0x53: {  	_ =	shalt  }
0x54: {  	_ =	shalt  }
0x55: {  	_ =	shalt  }
0x56: {  	_ =	shalt  }
0x57: {  	_ =	shalt  }
0x58: {  	_ =	shalt  }
0x59: {  	_ =	shalt  }
0x5a: {  	_ =	shalt  }
0x5b: {  	_ =	shalt  }
0x5c: {  	_ =	shalt  }
0x5d: {  	_ =	shalt  }
0x5e: {  	_ =	shalt  }
0x5f: {  	_ =	shalt  }
0x60: {  	_ =	shalt  }
0x61: {  	_ =	shalt  }
0x62: {  	_ =	shalt  }
0x63: {  	_ =	shalt  }
0x64: {  	_ =	shalt  }
0x65: {  	_ =	shalt  }
0x66: {  	_ =	shalt  }
0x67: {  	_ =	shalt  }
0x68: {  	_ =	shalt  }
0x69: {  	_ =	shalt  }
0x6a: {  	_ =	shalt  }
0x6b: {  	_ =	shalt  }
0x6c: {  	_ =	shalt  }
0x6d: {  	_ =	shalt  }
0x6e: {  	_ =	shalt  }
0x6f: {  	_ =	shalt  }
0x70: {  	_ =	shalt  }
0x71: {  	_ =	shalt  }
0x72: {  	_ =	shalt  }
0x73: {  	_ =	shalt  }
0x74: {  	_ =	shalt  }
0x75: {  	_ =	shalt  }
0x76: {  	_ =	shalt  }
0x77: {  	_ =	shalt  }
0x78: {  	_ =	shalt  }
0x79: {  	_ =	shalt  }
0x7a: {  	_ =	shalt  }
0x7b: {  	_ =	shalt  }
0x7c: {  	_ =	shalt  }
0x7d: {  	_ =	shalt  }
0x7e: {  	_ =	shalt  }
0x7f: {  	_ =	shalt  }
0x80: {  	_ =	shalt  }
0x81: {  	_ =	shalt  }
0x82: {  	_ =	shalt  }
0x83: {  	_ =	shalt  }
0x84: {  	_ =	shalt  }
0x85: {  	_ =	shalt  }
0x86: {  	_ =	shalt  }
0x87: {  	_ =	shalt  }
.Lfunc_end0:
.L_simem_size_0:
called_computation_lowered:
.L_overlay_start_0:
0x88: {  	s2 =	sld [smem:$0x3FD9]  }
0x89: {  	s3 =	sld [smem:$0x3FFE];
	_ =	sdelay $0x1  }
0x8a: {  	s1 =	srdreg.scid  }
0x8b: {  	s0 =	sand.u32 $0x1, s1  }
0x8c: {  	s17 =	sshll.u32 s0, $0xA;
	s2 =	sadd.s32 s3, s2  }
0x8d: {  	s2 =	sadd.s32 s2, s17  }
0x8e: {  	[smem:$0x3FC2] =	sst s2  }
0x8f: {  	_ = 	snop  }
0x90: {  	s2 =	sld [smem:$0x3FC9]  }
0x91: {  	s18 =	sld [smem:$0x3FD0];
	(tm) =	ssettm $0x1  }
0x92: {  	s4 =	sld [smem:$0x3FFB];
	_ =	sdelay $0x3  }
0x93: {  	_ =	strace s4  }
0x94: {  	s4 =	sld [smem:$0x3FFC];
	_ =	sdelay $0x3  }
0x95: {  	_ =	strace s4  }
0x96: {  	s4 =	sld [smem:$0x3FFD];
	_ =	sdelay $0x3  }
0x97: {  	_ =	strace s4  }
0x98: {  	_ =	strace $0x8FFFFFFF  }
0x99: {  	s19 =	sld [smem:$0x3FDB];
	_ =	sdelay $0x1  }
0x9a: {  	s5 =	simm.s32 $_scs_section_size  }
0x9b: {  	s6 =	simm.s32 $_size__tile_overlayer_lowered;
	s7 =	simm.s32 $_tile_overlayer_lowered  }
0x9c: {  	s22 =	simm.s32 $0x1BFF;
	s21 =	sshll.u32 s7, $0x1;
	s4 =	sadd.s32 s5, s19  }
0x9d: {  	s8 =	simm.s32 $0x0;
	s20 =	sshll.u32 s6, $0x1;
	s6 =	sadd.s32 s21, s4  }
0x9e: {  	[timem:s8], [sflag:s22] =	dma.local [hbm:s6], s20  }
0x9f: {  	_ =	swait.ge [sflag:s22], s20  }
0xa0: {  	s5 =	ssub.s32 $0x0, s20;
	[sflag:s22] =	ssyncset.done $0x0  }
0xa1: {  	[sflag:s22] =	ssyncadd.s32 s5;
	_ =	sdelay $0x1  }
0xa2: {  	s23 =	simm.s32 $0x1B8B  }
0xa3: {  	_ =	swait.ge [sflag:s23], $0x1  }
0xa4: {  	[sflag:s23] =	ssyncset.done $0x0  }
0xa5: {  	s25 =	simm.s32 $0x1B8E;
	s24 =	sld [smem:$0x3FFE];
	[sflag:s23] =	ssyncadd.s32 $0xFFFFFFFF  }
0xa6: {  	s26 =	simm.s32 $execute0_lowered;
	[smem:$0x3FD2] =	sst s25  }
0xa7: {  	s6 =	sshll.u32 s26, $0x1;
	_ =	strace $0x80000046;
	[dreg:$0x1] =	wrdreg $0xFFFFFFFF  }
0xa8: {  	s28 =	simm.s32 $_size_execute0_lowered;
	s4 =	sadd.s32 s4, s6;
	[dreg:$0x0] =	wrdreg $0x0  }
0xa9: {  	s6 =	sshll.u32 s28, $0x1;
	[dreg:$0x2] =	wrdreg s4  }
0xaa: {  	[dreg:$0x3] =	wrdreg s6  }
0xab: {  	[dreg:$0x4] =	wrdreg $0xC0  }
0xac: {  	_ =	task [dreg:s8], $0x5FFFF  }
0xad: {  	[dreg:$0x1] =	wrdreg $0xFFFFFFFF  }
0xae: {  	[dreg:$0x0] =	wrdreg $0x60  }
0xaf: {  	[dreg:$0x2] =	wrdreg s24  }
0xb0: {  	[dreg:$0x3] =	wrdreg s2  }
0xb1: {  	[dreg:$0x4] =	wrdreg s18  }
0xb2: {  	[dreg:$0x5] =	wrdreg $0xC4500  }
0xb3: {  	[dreg:$0x6] =	wrdreg $0x9  }
0xb4: {  	_ =	task.clear_ibuf [dreg:s8], $0x7FFFF;
	_ =	strace $0x90000046  }
0xb5: {  	s29 =	simm.s32 $0x9;
	_ =	strace $0x80000048  }
0xb6: {  	_ =	swait.ge [sflag:s29], $0x1  }
0xb7: {  	[sflag:s29] =	ssyncadd.s32 $0xFFFFFFFF  }
0xb8: {  	_ =	strace $0x90000048  }
0xb9: {  	_ =	sfence  }
0xba: {  	s30 =	sld [smem:$0x0];
	_ =	sdelay $0x2  }
0xbb: {  	s31 =	sshll.u32 s1, $0xD;
	s1 =	sshrl.u32 s1, $0x2  }
0xbc: {  	s3 =	sand.u32 $0x4000, s31;
	s1 =	sadd.s32 s1, s30  }
0xbd: {  	s0 =	sor.u32 s3, s0;
	s1 =	sshll.u32 s1, $0x11  }
0xbe: {  	s0 =	sor.u32 s1, s0  }
0xbf: {  	s0 =	sadd.s32 $0x8F2B, s0  }
0xc0: {  	[sflag:s0] =	ssyncadd.remote.s32 $0x1  }
0xc1: {  	_ =	sfence.sel $0xFFFF  }
0xc2: {  	[dreg:$0x0] =	wrdreg $0xFFFFFFFF;
	(pc) =	sbr.abs _section_cstart, $3  }
0xc3: {  	[dreg:$0x1] =	wrdreg $0xFFFFFFFF  }
0xc4: {  	_ =	task.clear_ibuf [dreg:s8], $0x2FFFF;
	_ =	strace $0x9FFFFFFF  }
0xc5: {  	(tm) =	ssettm $0x7FFFFFFF  }
tec
execute0_lowered:
.L_overlay_start_1:
0x0: {  	(tag) =	ssettag $0x1  }
0x1: {  	s7 =	rddreg [dreg:$0x0]  }
0x2: {  	s8 =	rddreg [dreg:$0x1]  }
0x3: {  	s1 =	rddreg [dreg:$0x2]  }
0x4: {  	s2 =	rddreg [dreg:$0x3]  }
0x5: {  	s0 =	rddreg [dreg:$0x4]  }
0x6: {  	s3 =	simm.s32 $0x0;
	s5 =	srdreg.scid;
	s17 =	stileid.u32  }
0x7: {  	s13 =	simm.s32 $0x1;
	s14 =	simm.s32 $0xC420;
	s15 =	simm.s32 $0xC430  }
0x8: {  	s16 =	simm.s32 $0x2710;
	s18 =	simm.s32 $0x0;
	[smem:$0x7FF] =	sst s3  }
0x9: {  	s4 =	sadd.s32 $0x1200, s7;
	s9 =	sand.u32 $0x1, s5;
	s10 =	smul.u32 $0x9C4, s17  }
0xa: {  	s5 =	sadd.s32 $0x1C00, s7;
	s6 =	sadd.s32 $0x1800, s7;
	s7 =	sadd.s32 $0x1A00, s7  }
0xb: {  	s31 =	sshll.u32 s17, $0x4;
	p0 =	sne.s32 s17, $0x0;
	s17 =	simm.s32 $0xC440  }
.Ltmp0:
0xc: {  	_ =	strace $0x80000047;
	s9 =	ssub.s32 $0x2, s9;
	(pc) =	sbr.rel .LBB2_1-.Ltmp0, $4  }
0xd: {  	s11 =	sshrl.u32 s9, $0x1;
	s12 =	sshrl.u32 s10, $0x4;
	s29 =	sadd.s32 $0x9C4, s10  }
0xe: {  	s11 =	ssub.s32 s9, s11;
	s30 =	sshll.u32 s12, $0x5;
	s9 =	sshrl.u32 s29, $0x4  }
0xf: {  	s10 =	sadd.s32 s31, s2;
	s8 =	sadd.s32 s8, s30;
	s9 =	ssub.s32 s9, s12  }
0x10: {  	s11 =	smax.u32 s11, $0x1;
	s12 =	simm.s32 $0xC410;
	p1 =	slt.s32 s9, $0x1  }
.LBB2_3:
0x11: {  	v4 =	vimm.f32 $0.0e+00;
	v5 =	vimm.f32 $0.0e+00  }
0x12: {  	v6 =	vimm.f32 $0.0e+00;
	v7 =	vimm.f32 $0.0e+00;
	v8 =	vimm.f32 $0.0e+00  }
0x13: {  	v9 =	vimm.f32 $0.0e+00;
	v10 =	vimm.f32 $0.0e+00;
	v3 =	vimm.f32 $0.0e+00  }
.LBB2_7:
0x14: {  	v26 =	vld [tilespmem:s19+$0x0]  }
0x15: {  	v27 =	vld [tilespmem:s19+$0x10]  }
0x16: {  	v28 =	vld [tilespmem:s19+$0x20]  }
0x17: {  	v29 =	vld [tilespmem:s19+$0x30]  }
0x18: {  	v30 =	vld [tilespmem:s19+$0x40]  }
0x19: {  	v31 =	vld [tilespmem:s19+$0x50]  }
0x1a: {  	v32 =	vld [tilespmem:s19+$0x60]  }
0x1b: {  	v12 =	vld.idx.msk [tilespmem:v12+s3+$0x0], $0xffff  }
0x1c: {  	v38 =	vld [tilespmem:s19+$0xFFFFFFF0]  }
0x1d: {  	v46 =	vld [tilespmem:s19+$0xFFFFFF90]  }
0x1e: {  	v47 =	vld [tilespmem:s19+$0xFFFFFFA0]  }
0x1f: {  	vm2 =	veq.s32 @p2 v13, v0;
	vm3 =	veq.s32 @p2 v14, v0;
	v51 =	vld [tilespmem:s19+$0xFFFFFFB0]  }
0x20: {  	v13 =	vmax.f32 @p2 v19, v24;
	v14 =	vnsel @p2 vm0, $0x0, v15;
	vm0 =	veq.s32 @p2 v17, v0;
	v54 =	vld [tilespmem:s19+$0xFFFFFFC0]  }
0x21: {  	v15 =	vmax.f32 @p2 v20, v25;
	v16 =	vnsel @p2 vm1, $0x0, v16;
	vm1 =	veq.s32 @p2 v22, v0;
	v56 =	vld [tilespmem:s19+$0xFFFFFFD0]  }
0x22: {  	v57 =	vld [tilespmem:s19+$0xFFFFFFE0];
	v19 =	vnsel @p2 vm2, $0x0, v21;
	v11 =	vnsel @p2 vm1, $0x0, v11;
	vm1 =	veq.s32 @p2 v18, v0  }
0x23: {  	v59 =	vld [tilespmem:s19+$0xFFFFFF80];
	v4 =	vadd.f32 @p2 v14, v4;
	v18 =	vnsel @p2 vm3, $0x0, v23;
	v6 =	vadd.f32 @p2 v16, v6  }
0x24: {  	v13 =	vnsel @p2 vm0, $0x0, v13;
	v5 =	vadd.f32 @p2 v11, v5;
	v7 =	vadd.f32 @p2 v19, v7;
	v34 =	vld.idx.msk [tilespmem:v26+s3+$0x0], $0xffff  }
0x25: {  	v15 =	vnsel @p2 vm1, $0x0, v15;
	v8 =	vadd.f32 @p2 v18, v8;
	v9 =	vadd.f32 @p2 v13, v9;
	v35 =	vld.idx.msk [tilespmem:v27+s3+$0x0], $0xffff  }
0x26: {  	v10 =	vadd.f32 @p2 v15, v10;
	v4 =	vpsel p2, v4, v1;
	v6 =	vpsel p2, v6, v1;
	v36 =	vld.idx.msk [tilespmem:v28+s3+$0x0], $0xffff  }
0x27: {  	v5 =	vpsel p2, v5, v1;
	v7 =	vpsel p2, v7, v1;
	v8 =	vpsel p2, v8, v1;
	v37 =	vld.idx.msk [tilespmem:v29+s3+$0x0], $0xffff  }
0x28: {  	v9 =	vpsel p2, v9, v1;
	v12 =	vadd.f32 v12, v2;
	vm8 =	veq.s32 v38, v0;
	v39 =	vld.idx.msk [tilespmem:v30+s3+$0x0], $0xffff  }
0x29: {  	vm9 =	veq.s32 v46, v0;
	vm10 =	veq.s32 v47, v0;
	v1 =	vpsel p2, v10, v1;
	v41 =	vld.idx.msk [tilespmem:v31+s3+$0x0], $0xffff  }
0x2a: {  	vm11 =	veq.s32 v51, v0;
	vm12 =	veq.s32 v54, v0;
	v42 =	vmul.f32 $2.000000030e-01, v12;
	v44 =	vld.idx.msk [tilespmem:v32+s3+$0x0], $0xffff  }
0x2b: {  	vm13 =	veq.s32 v56, v0;
	vm14 =	veq.s32 v57, v0;
	vm15 =	veq.s32 v59, v0  }
0x2c: {  	v12 =	vmax.f32 v12, v42;
	v40 =	vadd.f32 v34, v2;
	v43 =	vadd.f32 v35, v2  }
0x2d: {  	v12 =	vnsel vm8, $0x0, v12;
	v14 =	vadd.f32 v36, v2;
	v11 =	vadd.f32 v37, v2  }
0x2e: {  	v13 =	vadd.f32 v39, v2;
	v17 =	vadd.f32 v41, v2;
	v45 =	vmul.f32 $2.000000030e-01, v40  }
0x2f: {  	v2 =	vadd.f32 v44, v2;
	v48 =	vmul.f32 $2.000000030e-01, v43;
	v49 =	vmul.f32 $2.000000030e-01, v14  }
0x30: {  	v3 =	vadd.f32 v12, v3;
	v50 =	vmul.f32 $2.000000030e-01, v11;
	v55 =	vmul.f32 $2.000000030e-01, v13  }
0x31: {  	v58 =	vmul.f32 $2.000000030e-01, v17;
	v60 =	vmul.f32 $2.000000030e-01, v2;
	v52 =	vmax.f32 v40, v45  }
0x32: {  	v53 =	vmax.f32 v43, v48;
	v14 =	vmax.f32 v14, v49;
	v11 =	vmax.f32 v11, v50  }
0x33: {  	v13 =	vmax.f32 v13, v55;
	v61 =	vmax.f32 v17, v58;
	v2 =	vmax.f32 v2, v60  }
0x34: {  	v15 =	vnsel vm9, $0x0, v53;
	v14 =	vnsel vm10, $0x0, v14;
	v11 =	vnsel vm11, $0x0, v11  }
0x35: {  	v0 =	vnsel vm12, $0x0, v13;
	v12 =	vnsel vm15, $0x0, v52;
	v4 =	vadd.f32 v15, v4  }
0x36: {  	v10 =	vnsel vm13, $0x0, v61;
	v5 =	vadd.f32 v12, v5;
	v6 =	vadd.f32 v14, v6  }
0x37: {  	v2 =	vnsel vm14, $0x0, v2;
	v7 =	vadd.f32 v11, v7;
	v0 =	vadd.f32 v0, v8  }
0x38: {  	v62 =	vadd.f32 v10, v9;
	v1 =	vadd.f32 v2, v1  }
0x39: {  	v2 =	vadd.f32 v4, v5;
	v63 =	vadd.f32 v7, v6  }
0x3a: {  	v0 =	vadd.f32 v62, v0;
	v1 =	vadd.f32 v3, v1;
	_ =	sdelay $0x1  }
0x3b: {  	v2 =	vadd.f32 v63, v2;
	v0 =	vadd.f32 v1, v0;
	_ =	sdelay $0x1  }
0x3c: {  	v1 =	vadd.f32 v0, v2  }
.LBB2_8:
0x3d: {  	_ = 	snop  }
0x3e: {  	[tilespmem:$0xC440] =	vst v1  }
0x3f: {  	[spmem:s10] =	stream.linear.scatter [tilespmem:s17], [sflag:$0x1], $0x10, $0x38;
	[tilespmem:$0xC560] =	vst v63  }
0x40: {  	_ =	swait.ge [sflag:s13], $0x10  }
0x41: {  	[sflag:s13] =	ssyncset.done $0x0  }
0x42: {  	[sflag:s13] =	ssyncadd.s32 $0xFFFFFFF0  }
0x43: {  	s19 =	simm.s32 @!p0 $0xC460;
	[bflag:$0x0] =	sbarrier.arrive $0xFFFF  }
0x44: {  	[tilespmem:s19], [sflag:$0x1] =	stream.linear.gather @!p0 [spmem:s2], $0x100, $0x38;
	[tilespmem:$0xC560] =	vst v63  }
0x45: {  	s19 =	simm.s32 @!p0 $0x1  }
0x46: {  	_ =	swait.ge @!p0 [sflag:s19], $0x100  }
0x47: {  	[sflag:s19] =	ssyncset.done @!p0 $0x0  }
0x48: {  	[sflag:s19] =	ssyncadd.s32 @!p0 $0xFFFFFF00  }
0x49: {  	v0 =	vld @!p0 [tilespmem:$0xC460];
	_ =	sdelay $0x1  }
0x4a: {  	v1 =	vld @!p0 [tilespmem:$0xC470];
	_ =	sdelay $0x1  }
0x4b: {  	v2 =	vld @!p0 [tilespmem:$0xC480]  }
0x4c: {  	v0 =	vadd.f32 @!p0 $0.0e+00, v0  }
0x4d: {  	v3 =	vld @!p0 [tilespmem:$0xC490]  }
0x4e: {  	v0 =	vadd.f32 @!p0 v1, v0  }
0x4f: {  	v1 =	vld @!p0 [tilespmem:$0xC4A0]  }
0x50: {  	v0 =	vadd.f32 @!p0 v2, v0  }
0x51: {  	v2 =	vld @!p0 [tilespmem:$0xC4B0]  }
0x52: {  	v0 =	vadd.f32 @!p0 v3, v0  }
0x53: {  	v3 =	vld @!p0 [tilespmem:$0xC4C0]  }
0x54: {  	v0 =	vadd.f32 @!p0 v1, v0  }
0x55: {  	v1 =	vld @!p0 [tilespmem:$0xC4D0]  }
0x56: {  	v0 =	vadd.f32 @!p0 v2, v0  }
0x57: {  	v2 =	vld @!p0 [tilespmem:$0xC4E0]  }
0x58: {  	v0 =	vadd.f32 @!p0 v3, v0  }
0x59: {  	v3 =	vld @!p0 [tilespmem:$0xC4F0]  }
0x5a: {  	v0 =	vadd.f32 @!p0 v1, v0  }
0x5b: {  	v1 =	vld @!p0 [tilespmem:$0xC500]  }
0x5c: {  	v0 =	vadd.f32 @!p0 v2, v0  }
0x5d: {  	v2 =	vld @!p0 [tilespmem:$0xC510]  }
0x5e: {  	v0 =	vadd.f32 @!p0 v3, v0  }
0x5f: {  	v3 =	vld @!p0 [tilespmem:$0xC520]  }
0x60: {  	v0 =	vadd.f32 @!p0 v1, v0  }
0x61: {  	v1 =	vld @!p0 [tilespmem:$0xC530]  }
0x62: {  	v0 =	vadd.f32 @!p0 v2, v0  }
0x63: {  	v2 =	vld @!p0 [tilespmem:$0xC540]  }
0x64: {  	v0 =	vadd.f32 @!p0 v3, v0  }
0x65: {  	v3 =	vld @!p0 [tilespmem:$0xC550]  }
0x66: {  	v0 =	vadd.f32 @!p0 v1, v0;
	_ =	sdelay $0x1  }
0x67: {  	v0 =	vadd.f32 @!p0 v2, v0;
	_ =	sdelay $0x1  }
0x68: {  	v0 =	vadd.f32 @!p0 v3, v0;
	_ =	sdelay $0x1  }
0x69: {  	(xrf2) =	vadd.scan.msk.f32 @!p0 $0xffff, v0;
	_ =	sdelay $0x9  }
0x6a: {  	v0, _, _ =	vpop @!p0 (xrf2)  }
0x6b: {  	v0 =	vbroadcast @!p0 v0, $0xF;
	_ =	sdelay $0x1  }
0x6c: {  	(erf) = vrcp.f32 @!p0 v0;
	_ =	sdelay $0x4  }
0x6d: {  	v0 =	vld @!p0 [tilespmem:$0xC430];
	_ =	sdelay $0x3  }
0x6e: {  	v1 =	vpop @!p0 (erf)  }
0x6f: {  	s18 =	sadd.s32 $0x1, s18;
	v0 =	vmul.f32 @!p0 v1, v0  }
0x70: {  	p2 =	sne.s32 s18, s11  }
.Ltmp1:
0x71: {  	s20 =	simm.s32 @!p0 $0x0;
	s21 =	simm.s32 @!p0 $0xC440;
	[tilespmem:$0xC440] =	vst @!p0 v0;
	(pc) =	sbr.rel @!p2 .LBB2_9-.Ltmp1, $4  }
0x72: {  	[hbm4b:s1+s20] =	stream.linear.scatter @!p0 [tilespmem:s21], [sflag:$0x1], $0x10, $0x38;
	[tilespmem:$0xC560] =	vst v63  }
0x73: {  	_ =	swait.ge @!p0 [sflag:s19], $0x10  }
0x74: {  	[sflag:s19] =	ssyncset.done @!p0 $0x0  }
0x75: {  	[sflag:s19] =	ssyncadd.s32 @!p0 $0xFFFFFFF0  }
.LBB2_1:
0x76: {  	[tilespmem:s12], [sflag:$0x1] =	stream.linear.gather [hbm4b:s5+s3], $0x10, $0x38;
	[tilespmem:$0xC560] =	vst v63  }
0x77: {  	_ =	swait.ge [sflag:s13], $0x10  }
0x78: {  	[sflag:s13] =	ssyncset.done $0x0  }
0x79: {  	[sflag:s13] =	ssyncadd.s32 $0xFFFFFFF0  }
0x7a: {  	[tilespmem:s14], [sflag:$0x1] =	stream.linear.gather [hbm4b:s6+s3], $0x10, $0x38;
	[tilespmem:$0xC560] =	vst v63  }
0x7b: {  	_ =	swait.ge [sflag:s13], $0x10  }
0x7c: {  	[sflag:s13] =	ssyncset.done $0x0  }
0x7d: {  	[sflag:s13] =	ssyncadd.s32 $0xFFFFFFF0  }
0x7e: {  	[tilespmem:s15], [sflag:$0x1] =	stream.linear.gather [hbm4b:s7+s3], $0x10, $0x38;
	[tilespmem:$0xC560] =	vst v63  }
0x7f: {  	_ =	swait.ge [sflag:s13], $0x10  }
0x80: {  	[sflag:s13] =	ssyncset.done $0x0  }
0x81: {  	[sflag:s13] =	ssyncadd.s32 $0xFFFFFFF0  }
0x82: {  	[tilespmem:s3], [sflag:$0x1] =	stream.linear.gather [hbm4b:s4+s3], $0x2710, $0x38;
	[tilespmem:$0xC560] =	vst v63  }
0x83: {  	_ =	swait.ge [sflag:s13], $0x2710  }
0x84: {  	[sflag:s13] =	ssyncset.done $0x0  }
.Ltmp2:
0x85: {  	[sflag:s13] =	ssyncadd.s32 $0xFFFFD8F0;
	(pc) =	sbr.rel @p1 .LBB2_8-.Ltmp2, $4  }
0x86: {  	[tilespmem:s16], [sflag:$0x1] =	stream.linear.gather [hbm4b:s8+s3], $0x9D00, $0x38;
	[tilespmem:$0xC560] =	vst v63  }
0x87: {  	_ =	swait.ge [sflag:s13], $0x9D00  }
0x88: {  	[sflag:s13] =	ssyncset.done $0x0  }
0x89: {  	v1 =	vimm.f32 $0.0e+00;
	[sflag:s13] =	ssyncadd.s32 $0xFFFF6300  }
0x8a: {  	p3 =	sne.s32 s9, $0x1  }
.Ltmp3:
0x8b: {  	v0 =	vld [tilespmem:$0xC410];
	(pc) =	sbr.rel @!p3 .LBB2_3-.Ltmp3, $3  }
0x8c: {  	_ =	sdelay $0x1  }
0x8d: {  	s19 =	simm.s32 $0x2790;
	v2 =	vld [tilespmem:$0xC420]  }
0x8e: {  	s20 =	sadd.s32 $0xFFFFFFFF, s9;
	p2 =	por $0x0, $0x0;
	v12 =	vld [tilespmem:s19+$0x70]  }
0x8f: {  	v3 =	vld [tilespmem:s19+$0x0]  }
0x90: {  	v4 =	vld [tilespmem:s19+$0x10]  }
0x91: {  	v5 =	vld [tilespmem:s19+$0x20]  }
0x92: {  	v6 =	vld [tilespmem:s19+$0x30]  }
0x93: {  	v7 =	vld [tilespmem:s19+$0x40]  }
0x94: {  	v8 =	vld [tilespmem:s19+$0x50]  }
0x95: {  	v9 =	vld [tilespmem:s19+$0x60]  }
0x96: {  	v11 =	vld [tilespmem:s19+$0xFFFFFFF0]  }
0x97: {  	v22 =	vld [tilespmem:s19+$0xFFFFFFA0]  }
0x98: {  	v10 =	vld.idx.msk [tilespmem:v12+s3+$0x0], $0xffff  }
0x99: {  	v3 =	vld.idx.msk [tilespmem:v3+s3+$0x0], $0xffff  }
0x9a: {  	v4 =	vld.idx.msk [tilespmem:v4+s3+$0x0], $0xffff  }
0x9b: {  	v5 =	vld.idx.msk [tilespmem:v5+s3+$0x0], $0xffff  }
0x9c: {  	v6 =	vld.idx.msk [tilespmem:v6+s3+$0x0], $0xffff  }
0x9d: {  	v7 =	vld.idx.msk [tilespmem:v7+s3+$0x0], $0xffff  }
0x9e: {  	v8 =	vld.idx.msk [tilespmem:v8+s3+$0x0], $0xffff  }
0x9f: {  	v9 =	vld.idx.msk [tilespmem:v9+s3+$0x0], $0xffff  }
0xa0: {  	v10 =	vadd.f32 v10, v2  }
0xa1: {  	vm0 =	veq.s32 v11, v0;
	v12 =	vadd.f32 v3, v2;
	v4 =	vadd.f32 v4, v2  }
0xa2: {  	vm1 =	veq.s32 v22, v0;
	v5 =	vadd.f32 v5, v2;
	v6 =	vadd.f32 v6, v2  }
0xa3: {  	v18 =	vld [tilespmem:s19+$0xFFFFFF90];
	v3 =	vmul.f32 $2.000000030e-01, v10;
	v7 =	vadd.f32 v7, v2;
	v19 =	vadd.f32 v8, v2  }
0xa4: {  	v20 =	vadd.f32 v9, v2;
	v8 =	vimm.f32 $0.0e+00;
	v14 =	vmul.f32 $2.000000030e-01, v12  }
0xa5: {  	v3 =	vmax.f32 v10, v3;
	v10 =	vmul.f32 $2.000000030e-01, v4;
	v16 =	vmul.f32 $2.000000030e-01, v5  }
0xa6: {  	v13 =	vld [tilespmem:s19+$0xFFFFFFB0];
	p3 =	sne.s32 s20, $0x1;
	v9 =	vimm.f32 $0.0e+00;
	v21 =	vmul.f32 $2.000000030e-01, v6;
	v24 =	vmul.f32 $2.000000030e-01, v19  }
.Ltmp4:
0xa7: {  	v25 =	vmul.f32 $2.000000030e-01, v20;
	v3 =	vnsel vm0, $0x0, v3;
	v11 =	vmax.f32 v12, v14;
	v14 =	vld [tilespmem:s19+$0xFFFFFFC0];
	(pc) =	sbr.rel @!p3 .LBB2_5-.Ltmp4, $4  }
0xa8: {  	v17 =	vld [tilespmem:s19+$0xFFFFFFD0];
	vm0 =	veq.s32 v18, v0;
	v3 =	vadd.f32 v3, v1;
	v15 =	vmax.f32 v4, v10  }
0xa9: {  	v18 =	vld [tilespmem:s19+$0xFFFFFFE0];
	v16 =	vmax.f32 v5, v16;
	v4 =	vmul.f32 $2.000000030e-01, v7;
	v21 =	vmax.f32 v6, v21  }
0xaa: {  	v22 =	vld [tilespmem:s19+$0xFFFFFF80];
	s19 =	simm.s32 $0x2890;
	v5 =	vimm.f32 $0.0e+00;
	v6 =	vimm.f32 $0.0e+00;
	v10 =	vimm.f32 $0.0e+00  }
0xab: {  	s20 =	sadd.s32 $0xFFFFFFFF, s20;
	p2 =	por $0x1, $0x1;
	v12 =	vld [tilespmem:s19+$0x70];
	v23 =	vmax.f32 v7, v4;
	v4 =	vimm.f32 $0.0e+00;
	v7 =	vimm.f32 $0.0e+00  }
.LBB2_6:
0xac: {  	p3 =	sne.s32 s20, $0x1;
	v26 =	vld [tilespmem:s19+$0x0];
	vm2 =	veq.s32 v13, v0;
	vm3 =	veq.s32 v14, v0;
	v13 =	vmax.f32 v19, v24  }
0xad: {  	v15 =	vnsel vm0, $0x0, v15;
	vm0 =	veq.s32 v17, v0;
	v17 =	vmax.f32 v20, v25;
	v14 =	vld [tilespmem:s19+$0x10]  }
0xae: {  	v16 =	vnsel vm1, $0x0, v16;
	vm1 =	veq.s32 v18, v0;
	v20 =	vnsel vm2, $0x0, v21;
	v19 =	vld [tilespmem:s19+$0x20]  }
0xaf: {  	vm2 =	veq.s32 v22, v0;
	v21 =	vnsel vm3, $0x0, v23;
	v13 =	vnsel vm0, $0x0, v13;
	v18 =	vld [tilespmem:s19+$0x30]  }
0xb0: {  	v4 =	vadd.f32 v15, v4;
	v15 =	vnsel vm1, $0x0, v17;
	v11 =	vnsel vm2, $0x0, v11;
	v22 =	vld [tilespmem:s19+$0x40]  }
0xb1: {  	v6 =	vadd.f32 v16, v6;
	v5 =	vadd.f32 v11, v5;
	v17 =	vld [tilespmem:s19+$0x50]  }
0xb2: {  	v7 =	vadd.f32 v20, v7;
	v8 =	vadd.f32 v21, v8;
	v11 =	vld [tilespmem:s19+$0x60]  }
0xb3: {  	v9 =	vadd.f32 v13, v9;
	v10 =	vadd.f32 v15, v10;
	v12 =	vld.idx.msk [tilespmem:v12+s3+$0x0], $0xffff  }
0xb4: {  	v13 =	vld.idx.msk [tilespmem:v26+s3+$0x0], $0xffff  }
0xb5: {  	v14 =	vld.idx.msk [tilespmem:v14+s3+$0x0], $0xffff  }
0xb6: {  	v15 =	vld.idx.msk [tilespmem:v19+s3+$0x0], $0xffff  }
0xb7: {  	v16 =	vld.idx.msk [tilespmem:v18+s3+$0x0], $0xffff  }
0xb8: {  	v18 =	vld [tilespmem:s19+$0xFFFFFFF0]  }
0xb9: {  	v12 =	vadd.f32 v12, v2;
	v19 =	vld.idx.msk [tilespmem:v22+s3+$0x0], $0xffff  }
0xba: {  	v20 =	vadd.f32 v13, v2;
	v21 =	vld.idx.msk [tilespmem:v17+s3+$0x0], $0xffff  }
0xbb: {  	v17 =	vadd.f32 v14, v2;
	v22 =	vld.idx.msk [tilespmem:v11+s3+$0x0], $0xffff;
	v11 =	vmul.f32 $2.000000030e-01, v12  }
0xbc: {  	v23 =	vmul.f32 $2.000000030e-01, v20;
	v25 =	vadd.f32 v15, v2;
	v24 =	vld [tilespmem:s19+$0xFFFFFF90]  }
0xbd: {  	v27 =	vadd.f32 v16, v2;
	v26 =	vld [tilespmem:s19+$0xFFFFFFA0];
	v11 =	vmax.f32 v12, v11;
	vm0 =	veq.s32 v18, v0  }
0xbe: {  	v12 =	vmul.f32 $2.000000030e-01, v17;
	v16 =	vmul.f32 $2.000000030e-01, v25;
	v13 =	vld [tilespmem:s19+$0xFFFFFFB0];
	v11 =	vnsel vm0, $0x0, v11  }
.Ltmp5:
0xbf: {  	v28 =	vmul.f32 $2.000000030e-01, v27;
	v29 =	vadd.f32 v19, v2;
	v14 =	vld [tilespmem:s19+$0xFFFFFFC0];
	v3 =	vadd.f32 v11, v3;
	(pc) =	sbr.rel @p3 .LBB2_6-.Ltmp5, $4  }
0xc0: {  	v11 =	vmax.f32 v20, v23;
	v15 =	vmax.f32 v17, v12;
	v19 =	vadd.f32 v21, v2;
	v17 =	vld [tilespmem:s19+$0xFFFFFFD0]  }
0xc1: {  	v16 =	vmax.f32 v25, v16;
	v23 =	vmul.f32 $2.000000030e-01, v29;
	v20 =	vadd.f32 v22, v2;
	v18 =	vld [tilespmem:s19+$0xFFFFFFE0]  }
0xc2: {  	v21 =	vmax.f32 v27, v28;
	vm0 =	veq.s32 v24, v0;
	v24 =	vmul.f32 $2.000000030e-01, v19;
	v22 =	vld [tilespmem:s19+$0xFFFFFF80];
	s19 =	sadd.s32 $0x100, s19  }
0xc3: {  	s20 =	sadd.s32 $0xFFFFFFFF, s20;
	vm1 =	veq.s32 v26, v0;
	v23 =	vmax.f32 v29, v23;
	v25 =	vmul.f32 $2.000000030e-01, v20;
	v12 =	vld [tilespmem:s19+$0x70]  }
.Ltmp6:
0xc4: {  	_ = 	snop;
	(pc) =	sbr.rel .LBB2_7-.Ltmp6, $1  }
0xc5: {  	_ =	sdelay $0x3  }
.LBB2_5:
.Ltmp7:
0xc6: {  	(pc) =	sbr.rel .LBB2_7-.Ltmp7, $4  }
0xc7: {  	_ = 	snop  }
0xc8: {  	v4 =	vimm.f32 $0.0e+00  }
0xc9: {  	v5 =	vimm.f32 $0.0e+00;
	v6 =	vimm.f32 $0.0e+00;
	v7 =	vimm.f32 $0.0e+00  }
0xca: {  	v8 =	vimm.f32 $0.0e+00;
	v9 =	vimm.f32 $0.0e+00;
	v10 =	vimm.f32 $0.0e+00  }
.LBB2_9:
0xcb: {  	_ =	sfence.sel $0x180000  }
0xcc: {  	[bflag:$0x0] =	sbarrier.arrive $0xFFFF  }
0xcd: {  	_ =	strace $0x90000047  }
0xce: {  	s0 =	sadd.s32 @!p0 $0x100000, s0;
	[bflag:$0x2] =	sbarrier.arrive $0xFFFF  }
0xcf: {  	[sflag:s0] =	ssyncadd.tile.s32 @!p0 $0x1;
	_ =	shalt  }
.Lfunc_end2:
_tile_overlayer_lowered:
.L_overlay_start_2:
0xd0: {  	(tag) =	ssettag $0x2  }
0xd1: {  	s0 =	rddreg [dreg:$0x0];
	s2 =	stileid.u32  }
0xd2: {  	s1 =	rddreg [dreg:$0x1];
	p0 =	sne.s32 s2, $0x0  }
0xd3: {  	s3 =	rddreg [dreg:$0x2];
	[bflag:$0x3] =	sbarrier.arrive $0xFFFF;
	s2 =	simm.s32 @!p0 $0x1C01  }
0xd4: {  	[timem:s3], [sflag:s2] =	dma.local @!p0 [hbm:s0], s1  }
0xd5: {  	s0 =	simm.s32 @!p0 $0x1  }
0xd6: {  	_ =	swait.ge @!p0 [sflag:s0], s1  }
0xd7: {  	s1 =	ssub.s32 @!p0 $0x0, s1;
	[sflag:s0] =	ssyncset.done @!p0 $0x0  }
0xd8: {  	[sflag:s0] =	ssyncadd.s32 @!p0 s1  }
0xd9: {  	[bflag:$0x3] =	sbarrier.arrive $0xFFFF  }
0xda: {  	_ =	shalt  }

</sc_bundles>
